<compile_context>
chip_gen: v7x
topology: tpu7x:2x2x1
jax: 0.10.2.dev20260603
libtpu: 0.0.44.dev20260713+nightly
codegen_flags: <defaults>
</compile_context>

<pallas_src>
import jax
import jax.numpy as jnp
from jax import lax
from jax.experimental import pallas as pl
from jax.experimental.pallas import tpu as pltpu
from jax.experimental.pallas import tpu_sc as plsc

N_NODES = 10000
N_PAD = 10240
N_EDGES = 320000
F = 128
FH = 64
ALPHA = 0.2

NC, NS, L = 2, 16, 16
CH = 128
NCH = 160
EP = NCH * CH
E_PAD = NS * EP
NACC = 10112
NROW = NACC // NS
NNORM = NS * 1024


def _tc_prep(h_ref, wfc_ref, a_ref, wh_ref, s_ref):
    wh = lax.dot_general(h_ref[...], wfc_ref[...],
                         (((1,), (1,)), ((), ())),
                         preferred_element_type=jnp.float32)
    wh_ref[...] = wh.reshape(N_NODES, NC, FH).swapaxes(0, 1)
    s_ref[...] = lax.dot_general(a_ref[...], wh,
                                 (((1,), (1,)), ((), ())),
                                 preferred_element_type=jnp.float32)


def _sc_body(s1_hbm, s2_hbm, src_hbm, dst_hbm, wh_hbm, acc_out, norm_out,
             src_full, dst_full, eexp_full, s1c, s2c, rows3, zrow,
             s1_sh, s2_sh, acc_sh, norm_sh,
             gsem, ssem, a1sem, a2sem, nsem):
    cid = lax.axis_index("c")
    sid = lax.axis_index("s")

    pltpu.sync_copy(src_hbm.at[sid], src_full)
    pltpu.sync_copy(dst_hbm.at[sid], dst_full)
    off = sid * (N_PAD // NS)
    pltpu.sync_copy(s1_hbm.at[pl.ds(off, N_PAD // NS)],
                    s1_sh.at[pl.ds(off, N_PAD // NS)])
    pltpu.sync_copy(s2_hbm.at[pl.ds(off, N_PAD // NS)],
                    s2_sh.at[pl.ds(off, N_PAD // NS)])

    zero16 = jnp.zeros((L,), jnp.float32)

    def _zero_row(e, _):
        for c in range(FH // L):
            rows3[0, e, pl.ds(c * L, L)] = zero16
        return 0

    lax.fori_loop(0, CH, _zero_row, 0)

    def _zero_z(i, _):
        zrow[pl.ds(i * L, L)] = zero16
        return 0

    lax.fori_loop(0, 1024 // L, _zero_z, 0)

    row0 = sid * NROW
    for k in range(4):
        pltpu.sync_copy(rows3.at[0], acc_sh.at[pl.ds(row0 + k * CH, CH)])
    pltpu.sync_copy(rows3.at[0, pl.ds(0, NROW - 4 * CH)],
                    acc_sh.at[pl.ds(row0 + 4 * CH, NROW - 4 * CH)])
    pltpu.sync_copy(zrow, norm_sh.at[pl.ds(sid * 1024, 1024)])
    plsc.subcore_barrier()

    def _issue_a(jj, slot):
        pltpu.async_copy(s1_sh.at[src_full.at[jj]], s1c.at[slot],
                         a1sem.at[slot])
        pltpu.async_copy(s2_sh.at[dst_full.at[jj]], s2c.at[slot],
                         a2sem.at[slot])

    def _issue_b(jj, slot):
        pltpu.async_copy(wh_hbm.at[cid].at[src_full.at[jj]], rows3.at[slot],
                         gsem.at[slot])

    _issue_a(0, 0)
    _issue_b(0, 0)

    def _pb(jj, _):
        aslot = lax.rem(jj, 2)
        slot = lax.rem(jj, 3)
        nxt = jj + 1
        nslot = lax.rem(nxt, 3)

        pltpu.make_async_copy(s1_sh.at[src_full.at[jj]], s1c.at[aslot],
                              a1sem.at[aslot]).wait()
        pltpu.make_async_copy(s2_sh.at[dst_full.at[jj]], s2c.at[aslot],
                              a2sem.at[aslot]).wait()
        for i in range(CH // L):
            x = s1c[aslot, pl.ds(i * L, L)] + s2c[aslot, pl.ds(i * L, L)]
            ee = jnp.exp(jnp.maximum(x, ALPHA * x))
            gid = (sid * NCH + jj) * CH + i * L + lax.iota(jnp.int32, 16)
            ee = jnp.where(gid < N_EDGES, ee, 0.0)
            eexp_full[jj, pl.ds(i * L, L)] = ee
        pltpu.async_copy(eexp_full.at[jj], norm_sh.at[dst_full.at[jj]],
                         nsem, add=True)

        @pl.when(nxt < NCH)
        def _():
            _issue_a(nxt, lax.rem(nxt, 2))

        @pl.when((nxt >= 3) & (nxt < NCH))
        def _():
            pltpu.make_async_copy(rows3.at[nslot],
                                  acc_sh.at[dst_full.at[nxt - 3]],
                                  ssem.at[nslot]).wait()

        @pl.when(nxt < NCH)
        def _():
            _issue_b(nxt, nslot)

        pltpu.make_async_copy(wh_hbm.at[cid].at[src_full.at[jj]],
                              rows3.at[slot], gsem.at[slot]).wait()
        jv = jnp.full((L,), jj, jnp.int32)

        def _scale(e8, _):
            for u in range(8):
                e = e8 * 8 + u
                w = plsc.load_gather(eexp_full,
                                     [jv, jnp.full((L,), e, jnp.int32)])
                for c in range(FH // L):
                    rows3[slot, e, pl.ds(c * L, L)] = (
                        rows3[slot, e, pl.ds(c * L, L)] * w)
            return 0

        lax.fori_loop(0, CH // 8, _scale, 0)
        pltpu.async_copy(rows3.at[slot], acc_sh.at[dst_full.at[jj]],
                         ssem.at[slot], add=True)
        return 0

    lax.fori_loop(0, NCH, _pb, 0)
    for s in range(3):
        pltpu.make_async_copy(rows3.at[s], acc_sh.at[dst_full.at[0]],
                              ssem.at[s]).wait()

    def _drain_n(jj, _):
        pltpu.make_async_copy(eexp_full.at[0], norm_sh.at[dst_full.at[0]],
                              nsem).wait()
        return 0

    lax.fori_loop(0, NCH, _drain_n, 0)
    plsc.subcore_barrier()

    pltpu.sync_copy(acc_sh.at[pl.ds(row0, NROW)],
                    acc_out.at[cid, pl.ds(row0, NROW)])

    @pl.when(cid == 0)
    def _():
        pltpu.sync_copy(norm_sh.at[pl.ds(sid * 1024, 1024)],
                        norm_out.at[pl.ds(sid * 1024, 1024)])


def _tc_final(acc_ref, norm_ref, o_ref):
    t = norm_ref[...] + 1e-6
    o = jnp.concatenate(
        [acc_ref[0, :N_NODES], acc_ref[1, :N_NODES]], axis=1) / t
    o_ref[...] = jnp.where(o > 0, o, jnp.exp(jnp.minimum(o, 0.0)) - 1.0)


def kernel(h, edge_index, W_fc, W_attn):
    h2 = h[0]
    a12 = W_attn.reshape(2, F)
    pad = E_PAD - N_EDGES
    src3 = jnp.concatenate(
        [edge_index[0], jnp.zeros((pad,), jnp.int32)]).reshape(NS, NCH, CH)
    dst3 = jnp.concatenate(
        [edge_index[1], jnp.zeros((pad,), jnp.int32)]).reshape(NS, NCH, CH)

    wh, s12 = pl.pallas_call(
        _tc_prep,
        out_shape=[
            jax.ShapeDtypeStruct((NC, N_NODES, FH), jnp.float32),
            jax.ShapeDtypeStruct((2, N_NODES), jnp.float32),
        ],
    )(h2, W_fc, a12)
    zpad = jnp.zeros((N_PAD - N_NODES,), jnp.float32)
    s1 = jnp.concatenate([s12[0], zpad])
    s2 = jnp.concatenate([s12[1], zpad])

    mesh = plsc.VectorSubcoreMesh(core_axis_name="c", subcore_axis_name="s",
                                  num_cores=NC, num_subcores=NS)
    sc = pl.kernel(
        _sc_body,
        out_type=[
            jax.ShapeDtypeStruct((NC, NACC, FH), jnp.float32),
            jax.ShapeDtypeStruct((NNORM,), jnp.float32),
        ],
        mesh=mesh,
        compiler_params=pltpu.CompilerParams(needs_layout_passes=False,
                                             use_tc_tiling_on_sc=False),
        scratch_types=[
            pltpu.VMEM((NCH, CH), jnp.int32),
            pltpu.VMEM((NCH, CH), jnp.int32),
            pltpu.VMEM((NCH, CH), jnp.float32),
            pltpu.VMEM((2, CH), jnp.float32),
            pltpu.VMEM((2, CH), jnp.float32),
            pltpu.VMEM((3, CH, FH), jnp.float32),
            pltpu.VMEM((1024,), jnp.float32),
            pltpu.VMEM_SHARED((N_PAD,), jnp.float32),
            pltpu.VMEM_SHARED((N_PAD,), jnp.float32),
            pltpu.VMEM_SHARED((NACC, FH), jnp.float32),
            pltpu.VMEM_SHARED((NNORM,), jnp.float32),
            pltpu.SemaphoreType.DMA((3,)),
            pltpu.SemaphoreType.DMA((3,)),
            pltpu.SemaphoreType.DMA((2,)),
            pltpu.SemaphoreType.DMA((2,)),
            pltpu.SemaphoreType.DMA,
        ],
    )
    acc_part, norm0 = sc(s1, s2, src3, dst3, wh)

    norm_col = norm0[:N_NODES].reshape(N_NODES, 1)
    out = pl.pallas_call(
        _tc_final,
        out_shape=jax.ShapeDtypeStruct((N_NODES, F), jnp.float32),
    )(acc_part, norm_col)
    return out.reshape(1, N_NODES, F)

# --- scband reference (transcript-rebuilt; emitter-appended) ---
"""Pipeline reference for scband-graph-attention-layer-57226144251999 (READ-ONLY COPY).

The authoritative reference and input builder live on the scoring server;
editing this copy changes nothing except your own understanding.
"""

import jax, jax.numpy as jnp
import numpy as np

N_NODES = 10000
N_EDGES = 320000
IN_F = 128
OUT_F = 128
ALPHA = 0.2


def setup_inputs(seed: int = 0) -> dict:
    key = jax.random.key(seed)
    k1, k2, k3, k4 = jax.random.split(key, 4)
    h = jax.random.normal(k1, (1, N_NODES, IN_F), dtype=jnp.float32)
    edge_index = jax.random.randint(k2, (2, N_EDGES), 0, N_NODES, dtype=jnp.int32)
    # Learned parameters (torch nn.Linear stores weight as [out, in])
    W_fc = jax.random.normal(k3, (OUT_F, IN_F), dtype=jnp.float32) * 0.05
    W_attn = jax.random.normal(k4, (1, 2 * OUT_F), dtype=jnp.float32) * 0.05
    return {"h": h, "edge_index": edge_index, "W_fc": W_fc, "W_attn": W_attn}


def reference(h, edge_index, W_fc, W_attn):
    # Wh = self.fc(h)  -- linear without bias
    Wh = h @ W_fc.T  # [B, N, F_out]
    src = edge_index[0]
    dst = edge_index[1]
    src_h = Wh[:, src]  # [B, E, F_out] gather
    dst_h = Wh[:, dst]  # [B, E, F_out] gather
    # e = leakyrelu(attn_fc(cat([src_h, dst_h], -1))).squeeze(-1)
    cat = jnp.concatenate([src_h, dst_h], axis=-1)  # [B, E, 2F]
    e = jax.nn.leaky_relu(cat @ W_attn.T, negative_slope=ALPHA)[..., 0]  # [B, E]
    e_exp = jnp.exp(e)
    B = Wh.shape[0]
    N = Wh.shape[1]
    # norm.scatter_add_(1, dst_expand, e_exp)
    norm = jnp.zeros((B, N), dtype=Wh.dtype).at[:, dst].add(e_exp)
    # attn = e_exp / (norm.gather(1, dst_expand) + 1e-6)
    attn = e_exp / (norm[:, dst] + 1e-06)
    # out.scatter_add_(1, dst_expand..., src_h * attn)
    src_h_weighted = src_h * attn[..., None]  # [B, E, F]
    out = jnp.zeros_like(Wh).at[:, dst].add(src_h_weighted)
    return jax.nn.elu(out)

if __name__ == "__main__":
    import jax
    _d = setup_inputs()
    print(jax.jit(kernel)(*tuple(_d.values())))

</pallas_src>

<mosaic_0001>
#map = affine_map<(d0, d1) -> (0)>
#map1 = affine_map<(d0, d1) -> (0, 0, 0)>
module attributes {stable_mosaic.version = 14 : i64} {
  func.func @_sc_body(%arg0: i32, %arg1: i32, %arg2: memref<10240xf32, #tpu.memory_space<hbm>>, %arg3: memref<10240xf32, #tpu.memory_space<hbm>>, %arg4: memref<16x160x128xi32, #tpu.memory_space<hbm>>, %arg5: memref<16x160x128xi32, #tpu.memory_space<hbm>>, %arg6: memref<2x10000x64xf32, #tpu.memory_space<hbm>>, %arg7: memref<2x10112x64xf32, #tpu.memory_space<hbm>>, %arg8: memref<16384xf32, #tpu.memory_space<hbm>>, %arg9: memref<160x128xi32, #tpu.memory_space<vmem>>, %arg10: memref<160x128xi32, #tpu.memory_space<vmem>>, %arg11: memref<160x128xf32, #tpu.memory_space<vmem>>, %arg12: memref<2x128xf32, #tpu.memory_space<vmem>>, %arg13: memref<2x128xf32, #tpu.memory_space<vmem>>, %arg14: memref<3x128x64xf32, #tpu.memory_space<vmem>>, %arg15: memref<1024xf32, #tpu.memory_space<vmem>>, %arg16: memref<10240xf32, #tpu.memory_space<vmem_shared>>, %arg17: memref<10240xf32, #tpu.memory_space<vmem_shared>>, %arg18: memref<10112x64xf32, #tpu.memory_space<vmem_shared>>, %arg19: memref<16384xf32, #tpu.memory_space<vmem_shared>>, %arg20: memref<3x!tpu.dma_semaphore, #tpu.memory_space<semaphore_mem>>, %arg21: memref<3x!tpu.dma_semaphore, #tpu.memory_space<semaphore_mem>>, %arg22: memref<2x!tpu.dma_semaphore, #tpu.memory_space<semaphore_mem>>, %arg23: memref<2x!tpu.dma_semaphore, #tpu.memory_space<semaphore_mem>>, %arg24: memref<!tpu.dma_semaphore, #tpu.memory_space<semaphore_mem>>) attributes {dimension_semantics = [#tpu.dimension_semantics<core_parallel>, #tpu.dimension_semantics<subcore_parallel>], iteration_bounds = array<i64: 2, 16>, scalar_prefetch = 0 : i64, scratch_operands = 16 : i64, tpu.core_type = #tpu.core_type<sc_vector_subcore>, window_params = [{transform_indices = #map}, {transform_indices = #map}, {transform_indices = #map1}, {transform_indices = #map1}, {transform_indices = #map1}, {transform_indices = #map1}, {transform_indices = #map}]} {
    "tpu.region"() ({
      %run_scoped3A_137 = tpu.sem_alloc : memref<!tpu.dma_semaphore, #tpu.memory_space<semaphore_mem>>
      %dma_start3A_138 = arith.constant 0 : i32
      %dma_start3A_139 = arith.constant 0 : i32
      %dma_start3A_140 = tpu.memref_slice %arg4[%arg1, %dma_start3A_138, %dma_start3A_139] : memref<16x160x128xi32, #tpu.memory_space<hbm>> -> memref<1x160x128xi32, #tpu.memory_space<hbm>>
      %dma_start3A_141 = tpu.memref_squeeze %dma_start3A_140 : memref<1x160x128xi32, #tpu.memory_space<hbm>> -> memref<160x128xi32, #tpu.memory_space<hbm>>
      %dma_start3A_142 = arith.constant 0 : i32
      %dma_start3A_143 = arith.constant 0 : i32
      %dma_start3A_144 = tpu.memref_slice %arg4[%arg1, %dma_start3A_142, %dma_start3A_143] : memref<16x160x128xi32, #tpu.memory_space<hbm>> -> memref<1x160x128xi32, #tpu.memory_space<hbm>>
      %dma_start3A_145 = tpu.memref_squeeze %dma_start3A_144 : memref<1x160x128xi32, #tpu.memory_space<hbm>> -> memref<160x128xi32, #tpu.memory_space<hbm>>
      tpu.enqueue_dma source(%dma_start3A_145 : memref<160x128xi32, #tpu.memory_space<hbm>>) target(%arg9 : memref<160x128xi32, #tpu.memory_space<vmem>>) target_semaphore(%run_scoped3A_137 : memref<!tpu.dma_semaphore, #tpu.memory_space<semaphore_mem>>)
      %dma_wait3A_146 = arith.constant 0 : i32
      %dma_wait3A_147 = arith.constant 0 : i32
      %dma_wait3A_148 = tpu.memref_slice %arg4[%arg1, %dma_wait3A_146, %dma_wait3A_147] : memref<16x160x128xi32, #tpu.memory_space<hbm>> -> memref<1x160x128xi32, #tpu.memory_space<hbm>>
      %dma_wait3A_149 = tpu.memref_squeeze %dma_wait3A_148 : memref<1x160x128xi32, #tpu.memory_space<hbm>> -> memref<160x128xi32, #tpu.memory_space<hbm>>
      %dma_wait3A_150 = arith.constant 0 : i32
      %dma_wait3A_151 = arith.constant 0 : i32
      %dma_wait3A_152 = tpu.memref_slice %arg4[%arg1, %dma_wait3A_150, %dma_wait3A_151] : memref<16x160x128xi32, #tpu.memory_space<hbm>> -> memref<1x160x128xi32, #tpu.memory_space<hbm>>
      %dma_wait3A_153 = tpu.memref_squeeze %dma_wait3A_152 : memref<1x160x128xi32, #tpu.memory_space<hbm>> -> memref<160x128xi32, #tpu.memory_space<hbm>>
      tpu.wait_dma2 semaphore(%run_scoped3A_137 : memref<!tpu.dma_semaphore, #tpu.memory_space<semaphore_mem>>) src(%dma_wait3A_153 : memref<160x128xi32, #tpu.memory_space<hbm>>) dst(%arg9 : memref<160x128xi32, #tpu.memory_space<vmem>>)
      tpu.yield
    }) : () -> ()
    "tpu.region"() ({
      %run_scoped3A_137 = tpu.sem_alloc : memref<!tpu.dma_semaphore, #tpu.memory_space<semaphore_mem>>
      %dma_start3A_138 = arith.constant 0 : i32
      %dma_start3A_139 = arith.constant 0 : i32
      %dma_start3A_140 = tpu.memref_slice %arg5[%arg1, %dma_start3A_138, %dma_start3A_139] : memref<16x160x128xi32, #tpu.memory_space<hbm>> -> memref<1x160x128xi32, #tpu.memory_space<hbm>>
      %dma_start3A_141 = tpu.memref_squeeze %dma_start3A_140 : memref<1x160x128xi32, #tpu.memory_space<hbm>> -> memref<160x128xi32, #tpu.memory_space<hbm>>
      %dma_start3A_142 = arith.constant 0 : i32
      %dma_start3A_143 = arith.constant 0 : i32
      %dma_start3A_144 = tpu.memref_slice %arg5[%arg1, %dma_start3A_142, %dma_start3A_143] : memref<16x160x128xi32, #tpu.memory_space<hbm>> -> memref<1x160x128xi32, #tpu.memory_space<hbm>>
      %dma_start3A_145 = tpu.memref_squeeze %dma_start3A_144 : memref<1x160x128xi32, #tpu.memory_space<hbm>> -> memref<160x128xi32, #tpu.memory_space<hbm>>
      tpu.enqueue_dma source(%dma_start3A_145 : memref<160x128xi32, #tpu.memory_space<hbm>>) target(%arg10 : memref<160x128xi32, #tpu.memory_space<vmem>>) target_semaphore(%run_scoped3A_137 : memref<!tpu.dma_semaphore, #tpu.memory_space<semaphore_mem>>)
      %dma_wait3A_146 = arith.constant 0 : i32
      %dma_wait3A_147 = arith.constant 0 : i32
      %dma_wait3A_148 = tpu.memref_slice %arg5[%arg1, %dma_wait3A_146, %dma_wait3A_147] : memref<16x160x128xi32, #tpu.memory_space<hbm>> -> memref<1x160x128xi32, #tpu.memory_space<hbm>>
      %dma_wait3A_149 = tpu.memref_squeeze %dma_wait3A_148 : memref<1x160x128xi32, #tpu.memory_space<hbm>> -> memref<160x128xi32, #tpu.memory_space<hbm>>
      %dma_wait3A_150 = arith.constant 0 : i32
      %dma_wait3A_151 = arith.constant 0 : i32
      %dma_wait3A_152 = tpu.memref_slice %arg5[%arg1, %dma_wait3A_150, %dma_wait3A_151] : memref<16x160x128xi32, #tpu.memory_space<hbm>> -> memref<1x160x128xi32, #tpu.memory_space<hbm>>
      %dma_wait3A_153 = tpu.memref_squeeze %dma_wait3A_152 : memref<1x160x128xi32, #tpu.memory_space<hbm>> -> memref<160x128xi32, #tpu.memory_space<hbm>>
      tpu.wait_dma2 semaphore(%run_scoped3A_137 : memref<!tpu.dma_semaphore, #tpu.memory_space<semaphore_mem>>) src(%dma_wait3A_153 : memref<160x128xi32, #tpu.memory_space<hbm>>) dst(%arg10 : memref<160x128xi32, #tpu.memory_space<vmem>>)
      tpu.yield
    }) : () -> ()
    %mul3A = arith.constant 640 : i32
    %mul3A_0 = arith.muli %arg1, %mul3A : i32
    "tpu.region"() ({
      %run_scoped3A_137 = tpu.sem_alloc : memref<!tpu.dma_semaphore, #tpu.memory_space<semaphore_mem>>
      %dma_start3A_138 = tpu.memref_slice %arg16[%mul3A_0] : memref<10240xf32, #tpu.memory_space<vmem_shared>> -> memref<640xf32, #tpu.memory_space<vmem_shared>>
      %dma_start3A_139 = tpu.memref_slice %arg2[%mul3A_0] : memref<10240xf32, #tpu.memory_space<hbm>> -> memref<640xf32, #tpu.memory_space<hbm>>
      tpu.enqueue_dma source(%dma_start3A_139 : memref<640xf32, #tpu.memory_space<hbm>>) target(%dma_start3A_138 : memref<640xf32, #tpu.memory_space<vmem_shared>>) target_semaphore(%run_scoped3A_137 : memref<!tpu.dma_semaphore, #tpu.memory_space<semaphore_mem>>)
      %dma_wait3A_140 = tpu.memref_slice %arg16[%mul3A_0] : memref<10240xf32, #tpu.memory_space<vmem_shared>> -> memref<640xf32, #tpu.memory_space<vmem_shared>>
      %dma_wait3A_141 = tpu.memref_slice %arg2[%mul3A_0] : memref<10240xf32, #tpu.memory_space<hbm>> -> memref<640xf32, #tpu.memory_space<hbm>>
      tpu.wait_dma2 semaphore(%run_scoped3A_137 : memref<!tpu.dma_semaphore, #tpu.memory_space<semaphore_mem>>) src(%dma_wait3A_141 : memref<640xf32, #tpu.memory_space<hbm>>) dst(%dma_wait3A_140 : memref<640xf32, #tpu.memory_space<vmem_shared>>)
      tpu.yield
    }) : () -> ()
    "tpu.region"() ({
      %run_scoped3A_137 = tpu.sem_alloc : memref<!tpu.dma_semaphore, #tpu.memory_space<semaphore_mem>>
      %dma_start3A_138 = tpu.memref_slice %arg17[%mul3A_0] : memref<10240xf32, #tpu.memory_space<vmem_shared>> -> memref<640xf32, #tpu.memory_space<vmem_shared>>
      %dma_start3A_139 = tpu.memref_slice %arg3[%mul3A_0] : memref<10240xf32, #tpu.memory_space<hbm>> -> memref<640xf32, #tpu.memory_space<hbm>>
      tpu.enqueue_dma source(%dma_start3A_139 : memref<640xf32, #tpu.memory_space<hbm>>) target(%dma_start3A_138 : memref<640xf32, #tpu.memory_space<vmem_shared>>) target_semaphore(%run_scoped3A_137 : memref<!tpu.dma_semaphore, #tpu.memory_space<semaphore_mem>>)
      %dma_wait3A_140 = tpu.memref_slice %arg17[%mul3A_0] : memref<10240xf32, #tpu.memory_space<vmem_shared>> -> memref<640xf32, #tpu.memory_space<vmem_shared>>
      %dma_wait3A_141 = tpu.memref_slice %arg3[%mul3A_0] : memref<10240xf32, #tpu.memory_space<hbm>> -> memref<640xf32, #tpu.memory_space<hbm>>
      tpu.wait_dma2 semaphore(%run_scoped3A_137 : memref<!tpu.dma_semaphore, #tpu.memory_space<semaphore_mem>>) src(%dma_wait3A_141 : memref<640xf32, #tpu.memory_space<hbm>>) dst(%dma_wait3A_140 : memref<640xf32, #tpu.memory_space<vmem_shared>>)
      tpu.yield
    }) : () -> ()
    %broadcast_in_dim3A = arith.constant 0.000000e+00 : f32
    %broadcast_in_dim3A_1 = vector.broadcast %broadcast_in_dim3A : f32 to vector<16xf32>
    %scan3A = arith.constant 0 : i32
    %scan3A_2 = arith.constant 0 : i32
    %scan3A_3 = arith.constant 128 : i32
    %scan3A_4 = arith.addi %scan3A_2, %scan3A_3 : i32
    %scan3A_5 = arith.constant 1 : i32
    %scan3A_6 = scf.for %scan3A_137 = %scan3A_2 to %scan3A_4 step %scan3A_5 iter_args(%scan3A_138 = %scan3A) -> (i32)  : i32 {
      %swap3A = arith.constant 0 : i32
      %swap3A_139 = arith.index_cast %swap3A : i32 to index
      %swap3A_140 = arith.index_cast %scan3A_137 : i32 to index
      %swap3A_141 = arith.constant 0 : index
      %swap3A_142 = tpu.vector_load %arg14[%swap3A_139, %swap3A_140, %swap3A_141] {strides = array<i32>} : memref<3x128x64xf32, #tpu.memory_space<vmem>>, vector<16xf32>,
      tpu.vector_store %arg14[%swap3A_139, %swap3A_140, %swap3A_141], %broadcast_in_dim3A_1 {strides = array<i32>} : memref<3x128x64xf32, #tpu.memory_space<vmem>>, vector<16xf32>,
      %swap3A_143 = arith.constant 0 : i32
      %swap3A_144 = arith.index_cast %swap3A_143 : i32 to index
      %swap3A_145 = arith.index_cast %scan3A_137 : i32 to index
      %swap3A_146 = arith.constant 16 : index
      %swap3A_147 = tpu.vector_load %arg14[%swap3A_144, %swap3A_145, %swap3A_146] {strides = array<i32>} : memref<3x128x64xf32, #tpu.memory_space<vmem>>, vector<16xf32>,
      tpu.vector_store %arg14[%swap3A_144, %swap3A_145, %swap3A_146], %broadcast_in_dim3A_1 {strides = array<i32>} : memref<3x128x64xf32, #tpu.memory_space<vmem>>, vector<16xf32>,
      %swap3A_148 = arith.constant 0 : i32
      %swap3A_149 = arith.index_cast %swap3A_148 : i32 to index
      %swap3A_150 = arith.index_cast %scan3A_137 : i32 to index
      %swap3A_151 = arith.constant 32 : index
      %swap3A_152 = tpu.vector_load %arg14[%swap3A_149, %swap3A_150, %swap3A_151] {strides = array<i32>} : memref<3x128x64xf32, #tpu.memory_space<vmem>>, vector<16xf32>,
      tpu.vector_store %arg14[%swap3A_149, %swap3A_150, %swap3A_151], %broadcast_in_dim3A_1 {strides = array<i32>} : memref<3x128x64xf32, #tpu.memory_space<vmem>>, vector<16xf32>,
      %swap3A_153 = arith.constant 0 : i32
      %swap3A_154 = arith.index_cast %swap3A_153 : i32 to index
      %swap3A_155 = arith.index_cast %scan3A_137 : i32 to index
      %swap3A_156 = arith.constant 48 : index
      %swap3A_157 = tpu.vector_load %arg14[%swap3A_154, %swap3A_155, %swap3A_156] {strides = array<i32>} : memref<3x128x64xf32, #tpu.memory_space<vmem>>, vector<16xf32>,
      tpu.vector_store %arg14[%swap3A_154, %swap3A_155, %swap3A_156], %broadcast_in_dim3A_1 {strides = array<i32>} : memref<3x128x64xf32, #tpu.memory_space<vmem>>, vector<16xf32>,
      %scan3A_158 = arith.constant 0 : i32
      scf.yield %scan3A_158 : i32
    }
    %scan3A_7 = arith.constant 128 : i32
    %scan3A_8 = arith.constant 0 : i32
    %scan3A_9 = arith.constant 0 : i32
    %scan3A_10 = arith.constant 64 : i32
    %scan3A_11 = arith.addi %scan3A_9, %scan3A_10 : i32
    %scan3A_12 = arith.constant 1 : i32
    %scan3A_13 = scf.for %scan3A_137 = %scan3A_9 to %scan3A_11 step %scan3A_12 iter_args(%scan3A_138 = %scan3A_8) -> (i32)  : i32 {
      %mul3A_139 = arith.constant 16 : i32
      %mul3A_140 = arith.muli %scan3A_137, %mul3A_139 : i32
      %swap3A = arith.index_cast %mul3A_140 : i32 to index
      %swap3A_141 = tpu.vector_load %arg15[%swap3A] {strides = array<i32>} : memref<1024xf32, #tpu.memory_space<vmem>>, vector<16xf32>,
      tpu.vector_store %arg15[%swap3A], %broadcast_in_dim3A_1 {strides = array<i32>} : memref<1024xf32, #tpu.memory_space<vmem>>, vector<16xf32>,
      %scan3A_142 = arith.constant 0 : i32
      scf.yield %scan3A_142 : i32
    }
    %scan3A_14 = arith.constant 64 : i32
    %mul3A_15 = arith.constant 632 : i32
    %mul3A_16 = arith.muli %arg1, %mul3A_15 : i32
    %add3A = arith.constant 0 : i32
    %add3A_17 = arith.addi %mul3A_16, %add3A : i32
    %run_scoped3A = arith.constant 0 : i32
    "tpu.region"() ({
      %run_scoped3A_137 = tpu.sem_alloc : memref<!tpu.dma_semaphore, #tpu.memory_space<semaphore_mem>>
      %dma_start3A_138 = arith.constant 0 : i32
      %dma_start3A_139 = arith.constant 0 : i32
      %dma_start3A_140 = tpu.memref_slice %arg14[%run_scoped3A, %dma_start3A_138, %dma_start3A_139] : memref<3x128x64xf32, #tpu.memory_space<vmem>> -> memref<1x128x64xf32, #tpu.memory_space<vmem>>
      %dma_start3A_141 = tpu.memref_squeeze %dma_start3A_140 : memref<1x128x64xf32, #tpu.memory_space<vmem>> -> memref<128x64xf32, #tpu.memory_space<vmem>>
      %dma_start3A_142 = arith.constant 0 : i32
      %dma_start3A_143 = tpu.memref_slice %arg18[%add3A_17, %dma_start3A_142] : memref<10112x64xf32, #tpu.memory_space<vmem_shared>> -> memref<128x64xf32, #tpu.memory_space<vmem_shared>>
      %dma_start3A_144 = arith.constant 0 : i32
      %dma_start3A_145 = tpu.memref_slice %arg18[%add3A_17, %dma_start3A_144] : memref<10112x64xf32, #tpu.memory_space<vmem_shared>> -> memref<128x64xf32, #tpu.memory_space<vmem_shared>>
      %dma_start3A_146 = arith.constant 0 : i32
      %dma_start3A_147 = arith.constant 0 : i32
      %dma_start3A_148 = tpu.memref_slice %arg14[%run_scoped3A, %dma_start3A_146, %dma_start3A_147] : memref<3x128x64xf32, #tpu.memory_space<vmem>> -> memref<1x128x64xf32, #tpu.memory_space<vmem>>
      %dma_start3A_149 = tpu.memref_squeeze %dma_start3A_148 : memref<1x128x64xf32, #tpu.memory_space<vmem>> -> memref<128x64xf32, #tpu.memory_space<vmem>>
      tpu.enqueue_dma source(%dma_start3A_149 : memref<128x64xf32, #tpu.memory_space<vmem>>) target(%dma_start3A_145 : memref<128x64xf32, #tpu.memory_space<vmem_shared>>) target_semaphore(%run_scoped3A_137 : memref<!tpu.dma_semaphore, #tpu.memory_space<semaphore_mem>>)
      %dma_wait3A_150 = arith.constant 0 : i32
      %dma_wait3A_151 = arith.constant 0 : i32
      %dma_wait3A_152 = tpu.memref_slice %arg14[%run_scoped3A, %dma_wait3A_150, %dma_wait3A_151] : memref<3x128x64xf32, #tpu.memory_space<vmem>> -> memref<1x128x64xf32, #tpu.memory_space<vmem>>
      %dma_wait3A_153 = tpu.memref_squeeze %dma_wait3A_152 : memref<1x128x64xf32, #tpu.memory_space<vmem>> -> memref<128x64xf32, #tpu.memory_space<vmem>>
      %dma_wait3A_154 = arith.constant 0 : i32
      %dma_wait3A_155 = tpu.memref_slice %arg18[%add3A_17, %dma_wait3A_154] : memref<10112x64xf32, #tpu.memory_space<vmem_shared>> -> memref<128x64xf32, #tpu.memory_space<vmem_shared>>
      %dma_wait3A_156 = arith.constant 0 : i32
      %dma_wait3A_157 = tpu.memref_slice %arg18[%add3A_17, %dma_wait3A_156] : memref<10112x64xf32, #tpu.memory_space<vmem_shared>> -> memref<128x64xf32, #tpu.memory_space<vmem_shared>>
      %dma_wait3A_158 = arith.constant 0 : i32
      %dma_wait3A_159 = arith.constant 0 : i32
      %dma_wait3A_160 = tpu.memref_slice %arg14[%run_scoped3A, %dma_wait3A_158, %dma_wait3A_159] : memref<3x128x64xf32, #tpu.memory_space<vmem>> -> memref<1x128x64xf32, #tpu.memory_space<vmem>>
      %dma_wait3A_161 = tpu.memref_squeeze %dma_wait3A_160 : memref<1x128x64xf32, #tpu.memory_space<vmem>> -> memref<128x64xf32, #tpu.memory_space<vmem>>
      tpu.wait_dma2 semaphore(%run_scoped3A_137 : memref<!tpu.dma_semaphore, #tpu.memory_space<semaphore_mem>>) src(%dma_wait3A_161 : memref<128x64xf32, #tpu.memory_space<vmem>>) dst(%dma_wait3A_157 : memref<128x64xf32, #tpu.memory_space<vmem_shared>>)
      tpu.yield
    }) : () -> ()
    %add3A_18 = arith.constant 128 : i32
    %add3A_19 = arith.addi %mul3A_16, %add3A_18 : i32
    %run_scoped3A_20 = arith.constant 0 : i32
    "tpu.region"() ({
      %run_scoped3A_137 = tpu.sem_alloc : memref<!tpu.dma_semaphore, #tpu.memory_space<semaphore_mem>>
      %dma_start3A_138 = arith.constant 0 : i32
      %dma_start3A_139 = arith.constant 0 : i32
      %dma_start3A_140 = tpu.memref_slice %arg14[%run_scoped3A_20, %dma_start3A_138, %dma_start3A_139] : memref<3x128x64xf32, #tpu.memory_space<vmem>> -> memref<1x128x64xf32, #tpu.memory_space<vmem>>
      %dma_start3A_141 = tpu.memref_squeeze %dma_start3A_140 : memref<1x128x64xf32, #tpu.memory_space<vmem>> -> memref<128x64xf32, #tpu.memory_space<vmem>>
      %dma_start3A_142 = arith.constant 0 : i32
      %dma_start3A_143 = tpu.memref_slice %arg18[%add3A_19, %dma_start3A_142] : memref<10112x64xf32, #tpu.memory_space<vmem_shared>> -> memref<128x64xf32, #tpu.memory_space<vmem_shared>>
      %dma_start3A_144 = arith.constant 0 : i32
      %dma_start3A_145 = tpu.memref_slice %arg18[%add3A_19, %dma_start3A_144] : memref<10112x64xf32, #tpu.memory_space<vmem_shared>> -> memref<128x64xf32, #tpu.memory_space<vmem_shared>>
      %dma_start3A_146 = arith.constant 0 : i32
      %dma_start3A_147 = arith.constant 0 : i32
      %dma_start3A_148 = tpu.memref_slice %arg14[%run_scoped3A_20, %dma_start3A_146, %dma_start3A_147] : memref<3x128x64xf32, #tpu.memory_space<vmem>> -> memref<1x128x64xf32, #tpu.memory_space<vmem>>
      %dma_start3A_149 = tpu.memref_squeeze %dma_start3A_148 : memref<1x128x64xf32, #tpu.memory_space<vmem>> -> memref<128x64xf32, #tpu.memory_space<vmem>>
      tpu.enqueue_dma source(%dma_start3A_149 : memref<128x64xf32, #tpu.memory_space<vmem>>) target(%dma_start3A_145 : memref<128x64xf32, #tpu.memory_space<vmem_shared>>) target_semaphore(%run_scoped3A_137 : memref<!tpu.dma_semaphore, #tpu.memory_space<semaphore_mem>>)
      %dma_wait3A_150 = arith.constant 0 : i32
      %dma_wait3A_151 = arith.constant 0 : i32
      %dma_wait3A_152 = tpu.memref_slice %arg14[%run_scoped3A_20, %dma_wait3A_150, %dma_wait3A_151] : memref<3x128x64xf32, #tpu.memory_space<vmem>> -> memref<1x128x64xf32, #tpu.memory_space<vmem>>
      %dma_wait3A_153 = tpu.memref_squeeze %dma_wait3A_152 : memref<1x128x64xf32, #tpu.memory_space<vmem>> -> memref<128x64xf32, #tpu.memory_space<vmem>>
      %dma_wait3A_154 = arith.constant 0 : i32
      %dma_wait3A_155 = tpu.memref_slice %arg18[%add3A_19, %dma_wait3A_154] : memref<10112x64xf32, #tpu.memory_space<vmem_shared>> -> memref<128x64xf32, #tpu.memory_space<vmem_shared>>
      %dma_wait3A_156 = arith.constant 0 : i32
      %dma_wait3A_157 = tpu.memref_slice %arg18[%add3A_19, %dma_wait3A_156] : memref<10112x64xf32, #tpu.memory_space<vmem_shared>> -> memref<128x64xf32, #tpu.memory_space<vmem_shared>>
      %dma_wait3A_158 = arith.constant 0 : i32
      %dma_wait3A_159 = arith.constant 0 : i32
      %dma_wait3A_160 = tpu.memref_slice %arg14[%run_scoped3A_20, %dma_wait3A_158, %dma_wait3A_159] : memref<3x128x64xf32, #tpu.memory_space<vmem>> -> memref<1x128x64xf32, #tpu.memory_space<vmem>>
      %dma_wait3A_161 = tpu.memref_squeeze %dma_wait3A_160 : memref<1x128x64xf32, #tpu.memory_space<vmem>> -> memref<128x64xf32, #tpu.memory_space<vmem>>
      tpu.wait_dma2 semaphore(%run_scoped3A_137 : memref<!tpu.dma_semaphore, #tpu.memory_space<semaphore_mem>>) src(%dma_wait3A_161 : memref<128x64xf32, #tpu.memory_space<vmem>>) dst(%dma_wait3A_157 : memref<128x64xf32, #tpu.memory_space<vmem_shared>>)
      tpu.yield
    }) : () -> ()
    %add3A_21 = arith.constant 256 : i32
    %add3A_22 = arith.addi %mul3A_16, %add3A_21 : i32
    %run_scoped3A_23 = arith.constant 0 : i32
    "tpu.region"() ({
      %run_scoped3A_137 = tpu.sem_alloc : memref<!tpu.dma_semaphore, #tpu.memory_space<semaphore_mem>>
      %dma_start3A_138 = arith.constant 0 : i32
      %dma_start3A_139 = arith.constant 0 : i32
      %dma_start3A_140 = tpu.memref_slice %arg14[%run_scoped3A_23, %dma_start3A_138, %dma_start3A_139] : memref<3x128x64xf32, #tpu.memory_space<vmem>> -> memref<1x128x64xf32, #tpu.memory_space<vmem>>
      %dma_start3A_141 = tpu.memref_squeeze %dma_start3A_140 : memref<1x128x64xf32, #tpu.memory_space<vmem>> -> memref<128x64xf32, #tpu.memory_space<vmem>>
      %dma_start3A_142 = arith.constant 0 : i32
      %dma_start3A_143 = tpu.memref_slice %arg18[%add3A_22, %dma_start3A_142] : memref<10112x64xf32, #tpu.memory_space<vmem_shared>> -> memref<128x64xf32, #tpu.memory_space<vmem_shared>>
      %dma_start3A_144 = arith.constant 0 : i32
      %dma_start3A_145 = tpu.memref_slice %arg18[%add3A_22, %dma_start3A_144] : memref<10112x64xf32, #tpu.memory_space<vmem_shared>> -> memref<128x64xf32, #tpu.memory_space<vmem_shared>>
      %dma_start3A_146 = arith.constant 0 : i32
      %dma_start3A_147 = arith.constant 0 : i32
      %dma_start3A_148 = tpu.memref_slice %arg14[%run_scoped3A_23, %dma_start3A_146, %dma_start3A_147] : memref<3x128x64xf32, #tpu.memory_space<vmem>> -> memref<1x128x64xf32, #tpu.memory_space<vmem>>
      %dma_start3A_149 = tpu.memref_squeeze %dma_start3A_148 : memref<1x128x64xf32, #tpu.memory_space<vmem>> -> memref<128x64xf32, #tpu.memory_space<vmem>>
      tpu.enqueue_dma source(%dma_start3A_149 : memref<128x64xf32, #tpu.memory_space<vmem>>) target(%dma_start3A_145 : memref<128x64xf32, #tpu.memory_space<vmem_shared>>) target_semaphore(%run_scoped3A_137 : memref<!tpu.dma_semaphore, #tpu.memory_space<semaphore_mem>>)
      %dma_wait3A_150 = arith.constant 0 : i32
      %dma_wait3A_151 = arith.constant 0 : i32
      %dma_wait3A_152 = tpu.memref_slice %arg14[%run_scoped3A_23, %dma_wait3A_150, %dma_wait3A_151] : memref<3x128x64xf32, #tpu.memory_space<vmem>> -> memref<1x128x64xf32, #tpu.memory_space<vmem>>
      %dma_wait3A_153 = tpu.memref_squeeze %dma_wait3A_152 : memref<1x128x64xf32, #tpu.memory_space<vmem>> -> memref<128x64xf32, #tpu.memory_space<vmem>>
      %dma_wait3A_154 = arith.constant 0 : i32
      %dma_wait3A_155 = tpu.memref_slice %arg18[%add3A_22, %dma_wait3A_154] : memref<10112x64xf32, #tpu.memory_space<vmem_shared>> -> memref<128x64xf32, #tpu.memory_space<vmem_shared>>
      %dma_wait3A_156 = arith.constant 0 : i32
      %dma_wait3A_157 = tpu.memref_slice %arg18[%add3A_22, %dma_wait3A_156] : memref<10112x64xf32, #tpu.memory_space<vmem_shared>> -> memref<128x64xf32, #tpu.memory_space<vmem_shared>>
      %dma_wait3A_158 = arith.constant 0 : i32
      %dma_wait3A_159 = arith.constant 0 : i32
      %dma_wait3A_160 = tpu.memref_slice %arg14[%run_scoped3A_23, %dma_wait3A_158, %dma_wait3A_159] : memref<3x128x64xf32, #tpu.memory_space<vmem>> -> memref<1x128x64xf32, #tpu.memory_space<vmem>>
      %dma_wait3A_161 = tpu.memref_squeeze %dma_wait3A_160 : memref<1x128x64xf32, #tpu.memory_space<vmem>> -> memref<128x64xf32, #tpu.memory_space<vmem>>
      tpu.wait_dma2 semaphore(%run_scoped3A_137 : memref<!tpu.dma_semaphore, #tpu.memory_space<semaphore_mem>>) src(%dma_wait3A_161 : memref<128x64xf32, #tpu.memory_space<vmem>>) dst(%dma_wait3A_157 : memref<128x64xf32, #tpu.memory_space<vmem_shared>>)
      tpu.yield
    }) : () -> ()
    %add3A_24 = arith.constant 384 : i32
    %add3A_25 = arith.addi %mul3A_16, %add3A_24 : i32
    %run_scoped3A_26 = arith.constant 0 : i32
    "tpu.region"() ({
      %run_scoped3A_137 = tpu.sem_alloc : memref<!tpu.dma_semaphore, #tpu.memory_space<semaphore_mem>>
      %dma_start3A_138 = arith.constant 0 : i32
      %dma_start3A_139 = arith.constant 0 : i32
      %dma_start3A_140 = tpu.memref_slice %arg14[%run_scoped3A_26, %dma_start3A_138, %dma_start3A_139] : memref<3x128x64xf32, #tpu.memory_space<vmem>> -> memref<1x128x64xf32, #tpu.memory_space<vmem>>
      %dma_start3A_141 = tpu.memref_squeeze %dma_start3A_140 : memref<1x128x64xf32, #tpu.memory_space<vmem>> -> memref<128x64xf32, #tpu.memory_space<vmem>>
      %dma_start3A_142 = arith.constant 0 : i32
      %dma_start3A_143 = tpu.memref_slice %arg18[%add3A_25, %dma_start3A_142] : memref<10112x64xf32, #tpu.memory_space<vmem_shared>> -> memref<128x64xf32, #tpu.memory_space<vmem_shared>>
      %dma_start3A_144 = arith.constant 0 : i32
      %dma_start3A_145 = tpu.memref_slice %arg18[%add3A_25, %dma_start3A_144] : memref<10112x64xf32, #tpu.memory_space<vmem_shared>> -> memref<128x64xf32, #tpu.memory_space<vmem_shared>>
      %dma_start3A_146 = arith.constant 0 : i32
      %dma_start3A_147 = arith.constant 0 : i32
      %dma_start3A_148 = tpu.memref_slice %arg14[%run_scoped3A_26, %dma_start3A_146, %dma_start3A_147] : memref<3x128x64xf32, #tpu.memory_space<vmem>> -> memref<1x128x64xf32, #tpu.memory_space<vmem>>
      %dma_start3A_149 = tpu.memref_squeeze %dma_start3A_148 : memref<1x128x64xf32, #tpu.memory_space<vmem>> -> memref<128x64xf32, #tpu.memory_space<vmem>>
      tpu.enqueue_dma source(%dma_start3A_149 : memref<128x64xf32, #tpu.memory_space<vmem>>) target(%dma_start3A_145 : memref<128x64xf32, #tpu.memory_space<vmem_shared>>) target_semaphore(%run_scoped3A_137 : memref<!tpu.dma_semaphore, #tpu.memory_space<semaphore_mem>>)
      %dma_wait3A_150 = arith.constant 0 : i32
      %dma_wait3A_151 = arith.constant 0 : i32
      %dma_wait3A_152 = tpu.memref_slice %arg14[%run_scoped3A_26, %dma_wait3A_150, %dma_wait3A_151] : memref<3x128x64xf32, #tpu.memory_space<vmem>> -> memref<1x128x64xf32, #tpu.memory_space<vmem>>
      %dma_wait3A_153 = tpu.memref_squeeze %dma_wait3A_152 : memref<1x128x64xf32, #tpu.memory_space<vmem>> -> memref<128x64xf32, #tpu.memory_space<vmem>>
      %dma_wait3A_154 = arith.constant 0 : i32
      %dma_wait3A_155 = tpu.memref_slice %arg18[%add3A_25, %dma_wait3A_154] : memref<10112x64xf32, #tpu.memory_space<vmem_shared>> -> memref<128x64xf32, #tpu.memory_space<vmem_shared>>
      %dma_wait3A_156 = arith.constant 0 : i32
      %dma_wait3A_157 = tpu.memref_slice %arg18[%add3A_25, %dma_wait3A_156] : memref<10112x64xf32, #tpu.memory_space<vmem_shared>> -> memref<128x64xf32, #tpu.memory_space<vmem_shared>>
      %dma_wait3A_158 = arith.constant 0 : i32
      %dma_wait3A_159 = arith.constant 0 : i32
      %dma_wait3A_160 = tpu.memref_slice %arg14[%run_scoped3A_26, %dma_wait3A_158, %dma_wait3A_159] : memref<3x128x64xf32, #tpu.memory_space<vmem>> -> memref<1x128x64xf32, #tpu.memory_space<vmem>>
      %dma_wait3A_161 = tpu.memref_squeeze %dma_wait3A_160 : memref<1x128x64xf32, #tpu.memory_space<vmem>> -> memref<128x64xf32, #tpu.memory_space<vmem>>
      tpu.wait_dma2 semaphore(%run_scoped3A_137 : memref<!tpu.dma_semaphore, #tpu.memory_space<semaphore_mem>>) src(%dma_wait3A_161 : memref<128x64xf32, #tpu.memory_space<vmem>>) dst(%dma_wait3A_157 : memref<128x64xf32, #tpu.memory_space<vmem_shared>>)
      tpu.yield
    }) : () -> ()
    %add3A_27 = arith.constant 512 : i32
    %add3A_28 = arith.addi %mul3A_16, %add3A_27 : i32
    %run_scoped3A_29 = arith.constant 0 : i32
    "tpu.region"() ({
      %run_scoped3A_137 = tpu.sem_alloc : memref<!tpu.dma_semaphore, #tpu.memory_space<semaphore_mem>>
      %dma_start3A_138 = arith.constant 0 : i32
      %dma_start3A_139 = arith.constant 0 : i32
      %dma_start3A_140 = tpu.memref_slice %arg14[%run_scoped3A_29, %dma_start3A_138, %dma_start3A_139] : memref<3x128x64xf32, #tpu.memory_space<vmem>> -> memref<1x120x64xf32, #tpu.memory_space<vmem>>
      %dma_start3A_141 = tpu.memref_squeeze %dma_start3A_140 : memref<1x120x64xf32, #tpu.memory_space<vmem>> -> memref<120x64xf32, #tpu.memory_space<vmem>>
      %dma_start3A_142 = arith.constant 0 : i32
      %dma_start3A_143 = tpu.memref_slice %arg18[%add3A_28, %dma_start3A_142] : memref<10112x64xf32, #tpu.memory_space<vmem_shared>> -> memref<120x64xf32, #tpu.memory_space<vmem_shared>>
      %dma_start3A_144 = arith.constant 0 : i32
      %dma_start3A_145 = tpu.memref_slice %arg18[%add3A_28, %dma_start3A_144] : memref<10112x64xf32, #tpu.memory_space<vmem_shared>> -> memref<120x64xf32, #tpu.memory_space<vmem_shared>>
      %dma_start3A_146 = arith.constant 0 : i32
      %dma_start3A_147 = arith.constant 0 : i32
      %dma_start3A_148 = tpu.memref_slice %arg14[%run_scoped3A_29, %dma_start3A_146, %dma_start3A_147] : memref<3x128x64xf32, #tpu.memory_space<vmem>> -> memref<1x120x64xf32, #tpu.memory_space<vmem>>
      %dma_start3A_149 = tpu.memref_squeeze %dma_start3A_148 : memref<1x120x64xf32, #tpu.memory_space<vmem>> -> memref<120x64xf32, #tpu.memory_space<vmem>>
      tpu.enqueue_dma source(%dma_start3A_149 : memref<120x64xf32, #tpu.memory_space<vmem>>) target(%dma_start3A_145 : memref<120x64xf32, #tpu.memory_space<vmem_shared>>) target_semaphore(%run_scoped3A_137 : memref<!tpu.dma_semaphore, #tpu.memory_space<semaphore_mem>>)
      %dma_wait3A_150 = arith.constant 0 : i32
      %dma_wait3A_151 = arith.constant 0 : i32
      %dma_wait3A_152 = tpu.memref_slice %arg14[%run_scoped3A_29, %dma_wait3A_150, %dma_wait3A_151] : memref<3x128x64xf32, #tpu.memory_space<vmem>> -> memref<1x120x64xf32, #tpu.memory_space<vmem>>
      %dma_wait3A_153 = tpu.memref_squeeze %dma_wait3A_152 : memref<1x120x64xf32, #tpu.memory_space<vmem>> -> memref<120x64xf32, #tpu.memory_space<vmem>>
      %dma_wait3A_154 = arith.constant 0 : i32
      %dma_wait3A_155 = tpu.memref_slice %arg18[%add3A_28, %dma_wait3A_154] : memref<10112x64xf32, #tpu.memory_space<vmem_shared>> -> memref<120x64xf32, #tpu.memory_space<vmem_shared>>
      %dma_wait3A_156 = arith.constant 0 : i32
      %dma_wait3A_157 = tpu.memref_slice %arg18[%add3A_28, %dma_wait3A_156] : memref<10112x64xf32, #tpu.memory_space<vmem_shared>> -> memref<120x64xf32, #tpu.memory_space<vmem_shared>>
      %dma_wait3A_158 = arith.constant 0 : i32
      %dma_wait3A_159 = arith.constant 0 : i32
      %dma_wait3A_160 = tpu.memref_slice %arg14[%run_scoped3A_29, %dma_wait3A_158, %dma_wait3A_159] : memref<3x128x64xf32, #tpu.memory_space<vmem>> -> memref<1x120x64xf32, #tpu.memory_space<vmem>>
      %dma_wait3A_161 = tpu.memref_squeeze %dma_wait3A_160 : memref<1x120x64xf32, #tpu.memory_space<vmem>> -> memref<120x64xf32, #tpu.memory_space<vmem>>
      tpu.wait_dma2 semaphore(%run_scoped3A_137 : memref<!tpu.dma_semaphore, #tpu.memory_space<semaphore_mem>>) src(%dma_wait3A_161 : memref<120x64xf32, #tpu.memory_space<vmem>>) dst(%dma_wait3A_157 : memref<120x64xf32, #tpu.memory_space<vmem_shared>>)
      tpu.yield
    }) : () -> ()
    %mul3A_30 = arith.constant 1024 : i32
    %mul3A_31 = arith.muli %arg1, %mul3A_30 : i32
    "tpu.region"() ({
      %run_scoped3A_137 = tpu.sem_alloc : memref<!tpu.dma_semaphore, #tpu.memory_space<semaphore_mem>>
      %dma_start3A_138 = tpu.memref_slice %arg19[%mul3A_31] : memref<16384xf32, #tpu.memory_space<vmem_shared>> -> memref<1024xf32, #tpu.memory_space<vmem_shared>>
      %dma_start3A_139 = tpu.memref_slice %arg19[%mul3A_31] : memref<16384xf32, #tpu.memory_space<vmem_shared>> -> memref<1024xf32, #tpu.memory_space<vmem_shared>>
      tpu.enqueue_dma source(%arg15 : memref<1024xf32, #tpu.memory_space<vmem>>) target(%dma_start3A_139 : memref<1024xf32, #tpu.memory_space<vmem_shared>>) target_semaphore(%run_scoped3A_137 : memref<!tpu.dma_semaphore, #tpu.memory_space<semaphore_mem>>)
      %dma_wait3A_140 = tpu.memref_slice %arg19[%mul3A_31] : memref<16384xf32, #tpu.memory_space<vmem_shared>> -> memref<1024xf32, #tpu.memory_space<vmem_shared>>
      %dma_wait3A_141 = tpu.memref_slice %arg19[%mul3A_31] : memref<16384xf32, #tpu.memory_space<vmem_shared>> -> memref<1024xf32, #tpu.memory_space<vmem_shared>>
      tpu.wait_dma2 semaphore(%run_scoped3A_137 : memref<!tpu.dma_semaphore, #tpu.memory_space<semaphore_mem>>) src(%arg15 : memref<1024xf32, #tpu.memory_space<vmem>>) dst(%dma_wait3A_141 : memref<1024xf32, #tpu.memory_space<vmem_shared>>)
      tpu.yield
    }) : () -> ()
    %barrier3A = arith.constant 0 : index
    tpu.barrier barrier_id(%barrier3A)
    %dma_start3A = arith.constant 0 : i32
    %dma_start3A_32 = arith.constant 0 : i32
    %dma_start3A_33 = arith.constant 0 : i32
    %dma_start3A_34 = arith.constant 0 : i32
    %dma_start3A_35 = tpu.memref_slice %arg12[%dma_start3A_32, %dma_start3A_34] : memref<2x128xf32, #tpu.memory_space<vmem>> -> memref<1x128xf32, #tpu.memory_space<vmem>>
    %dma_start3A_36 = tpu.memref_squeeze %dma_start3A_35 : memref<1x128xf32, #tpu.memory_space<vmem>> -> memref<128xf32, #tpu.memory_space<vmem>>
    %dma_start3A_37 = arith.constant 0 : i32
    %dma_start3A_38 = tpu.memref_slice %arg9[%dma_start3A, %dma_start3A_37] : memref<160x128xi32, #tpu.memory_space<vmem>> -> memref<1x128xi32, #tpu.memory_space<vmem>>
    %dma_start3A_39 = tpu.memref_squeeze %dma_start3A_38 : memref<1x128xi32, #tpu.memory_space<vmem>> -> memref<128xi32, #tpu.memory_space<vmem>>
    %dma_start3A_40 = arith.constant 0 : i32
    %dma_start3A_41 = tpu.memref_slice %arg16[%dma_start3A_40] : memref<10240xf32, #tpu.memory_space<vmem_shared>> -> memref<10240xf32, #tpu.memory_space<vmem_shared>>
    %dma_start3A_42 = tpu.memref_slice %arg22[%dma_start3A_33] : memref<2x!tpu.dma_semaphore, #tpu.memory_space<semaphore_mem>> -> memref<1x!tpu.dma_semaphore, #tpu.memory_space<semaphore_mem>>
    %dma_start3A_43 = tpu.memref_squeeze %dma_start3A_42 : memref<1x!tpu.dma_semaphore, #tpu.memory_space<semaphore_mem>> -> memref<!tpu.dma_semaphore, #tpu.memory_space<semaphore_mem>>
    tpu.enqueue_indirect_dma source(%dma_start3A_41 : memref<10240xf32, #tpu.memory_space<vmem_shared>>) target(%dma_start3A_36 : memref<128xf32, #tpu.memory_space<vmem>>) offsets(%dma_start3A_39 : memref<128xi32, #tpu.memory_space<vmem>>) semaphore(%dma_start3A_43 : memref<!tpu.dma_semaphore, #tpu.memory_space<semaphore_mem>>)
    %dma_start3A_44 = arith.constant 0 : i32
    %dma_start3A_45 = arith.constant 0 : i32
    %dma_start3A_46 = arith.constant 0 : i32
    %dma_start3A_47 = arith.constant 0 : i32
    %dma_start3A_48 = tpu.memref_slice %arg13[%dma_start3A_45, %dma_start3A_47] : memref<2x128xf32, #tpu.memory_space<vmem>> -> memref<1x128xf32, #tpu.memory_space<vmem>>
    %dma_start3A_49 = tpu.memref_squeeze %dma_start3A_48 : memref<1x128xf32, #tpu.memory_space<vmem>> -> memref<128xf32, #tpu.memory_space<vmem>>
    %dma_start3A_50 = arith.constant 0 : i32
    %dma_start3A_51 = tpu.memref_slice %arg10[%dma_start3A_44, %dma_start3A_50] : memref<160x128xi32, #tpu.memory_space<vmem>> -> memref<1x128xi32, #tpu.memory_space<vmem>>
    %dma_start3A_52 = tpu.memref_squeeze %dma_start3A_51 : memref<1x128xi32, #tpu.memory_space<vmem>> -> memref<128xi32, #tpu.memory_space<vmem>>
    %dma_start3A_53 = arith.constant 0 : i32
    %dma_start3A_54 = tpu.memref_slice %arg17[%dma_start3A_53] : memref<10240xf32, #tpu.memory_space<vmem_shared>> -> memref<10240xf32, #tpu.memory_space<vmem_shared>>
    %dma_start3A_55 = tpu.memref_slice %arg23[%dma_start3A_46] : memref<2x!tpu.dma_semaphore, #tpu.memory_space<semaphore_mem>> -> memref<1x!tpu.dma_semaphore, #tpu.memory_space<semaphore_mem>>
    %dma_start3A_56 = tpu.memref_squeeze %dma_start3A_55 : memref<1x!tpu.dma_semaphore, #tpu.memory_space<semaphore_mem>> -> memref<!tpu.dma_semaphore, #tpu.memory_space<semaphore_mem>>
    tpu.enqueue_indirect_dma source(%dma_start3A_54 : memref<10240xf32, #tpu.memory_space<vmem_shared>>) target(%dma_start3A_49 : memref<128xf32, #tpu.memory_space<vmem>>) offsets(%dma_start3A_52 : memref<128xi32, #tpu.memory_space<vmem>>) semaphore(%dma_start3A_56 : memref<!tpu.dma_semaphore, #tpu.memory_space<semaphore_mem>>)
    %dma_start3A_57 = arith.constant 0 : i32
    %dma_start3A_58 = arith.constant 0 : i32
    %dma_start3A_59 = arith.constant 0 : i32
    %dma_start3A_60 = arith.constant 0 : i32
    %dma_start3A_61 = arith.constant 0 : i32
    %dma_start3A_62 = tpu.memref_slice %arg14[%dma_start3A_58, %dma_start3A_60, %dma_start3A_61] : memref<3x128x64xf32, #tpu.memory_space<vmem>> -> memref<1x128x64xf32, #tpu.memory_space<vmem>>
    %dma_start3A_63 = tpu.memref_squeeze %dma_start3A_62 : memref<1x128x64xf32, #tpu.memory_space<vmem>> -> memref<128x64xf32, #tpu.memory_space<vmem>>
    %dma_start3A_64 = arith.constant 0 : i32
    %dma_start3A_65 = tpu.memref_slice %arg9[%dma_start3A_57, %dma_start3A_64] : memref<160x128xi32, #tpu.memory_space<vmem>> -> memref<1x128xi32, #tpu.memory_space<vmem>>
    %dma_start3A_66 = tpu.memref_squeeze %dma_start3A_65 : memref<1x128xi32, #tpu.memory_space<vmem>> -> memref<128xi32, #tpu.memory_space<vmem>>
    %dma_start3A_67 = arith.constant 0 : i32
    %dma_start3A_68 = arith.constant 0 : i32
    %dma_start3A_69 = tpu.memref_slice %arg6[%arg0, %dma_start3A_67, %dma_start3A_68] : memref<2x10000x64xf32, #tpu.memory_space<hbm>> -> memref<1x10000x64xf32, #tpu.memory_space<hbm>>
    %dma_start3A_70 = tpu.memref_squeeze %dma_start3A_69 : memref<1x10000x64xf32, #tpu.memory_space<hbm>> -> memref<10000x64xf32, #tpu.memory_space<hbm>>
    %dma_start3A_71 = arith.constant 0 : i32
    %dma_start3A_72 = arith.constant 0 : i32
    %dma_start3A_73 = tpu.memref_slice %dma_start3A_70[%dma_start3A_71, %dma_start3A_72] : memref<10000x64xf32, #tpu.memory_space<hbm>> -> memref<10000x64xf32, #tpu.memory_space<hbm>>
    %dma_start3A_74 = tpu.memref_slice %arg20[%dma_start3A_59] : memref<3x!tpu.dma_semaphore, #tpu.memory_space<semaphore_mem>> -> memref<1x!tpu.dma_semaphore, #tpu.memory_space<semaphore_mem>>
    %dma_start3A_75 = tpu.memref_squeeze %dma_start3A_74 : memref<1x!tpu.dma_semaphore, #tpu.memory_space<semaphore_mem>> -> memref<!tpu.dma_semaphore, #tpu.memory_space<semaphore_mem>>
    tpu.enqueue_indirect_dma source(%dma_start3A_73 : memref<10000x64xf32, #tpu.memory_space<hbm>>) target(%dma_start3A_63 : memref<128x64xf32, #tpu.memory_space<vmem>>) offsets(%dma_start3A_66 : memref<128xi32, #tpu.memory_space<vmem>>) semaphore(%dma_start3A_75 : memref<!tpu.dma_semaphore, #tpu.memory_space<semaphore_mem>>)
    %scan3A_76 = arith.constant 0 : i32
    %scan3A_77 = arith.constant 0 : i32
    %scan3A_78 = arith.constant 160 : i32
    %scan3A_79 = arith.addi %scan3A_77, %scan3A_78 : i32
    %scan3A_80 = arith.constant 1 : i32
    %scan3A_81 = scf.for %scan3A_137 = %scan3A_77 to %scan3A_79 step %scan3A_80 iter_args(%scan3A_138 = %scan3A_76) -> (i32)  : i32 {
      %rem3A = arith.constant 2 : i32
      %rem3A_139 = arith.remsi %scan3A_137, %rem3A : i32
      %rem3A_140 = arith.constant 3 : i32
      %rem3A_141 = arith.remsi %scan3A_137, %rem3A_140 : i32
      %add3A_142 = arith.constant 1 : i32
      %add3A_143 = arith.addi %scan3A_137, %add3A_142 : i32
      %rem3A_144 = arith.constant 3 : i32
      %rem3A_145 = arith.remsi %add3A_143, %rem3A_144 : i32
      %dma_wait3A_146 = arith.constant 0 : i32
      %dma_wait3A_147 = tpu.memref_slice %arg12[%rem3A_139, %dma_wait3A_146] : memref<2x128xf32, #tpu.memory_space<vmem>> -> memref<1x128xf32, #tpu.memory_space<vmem>>
      %dma_wait3A_148 = tpu.memref_squeeze %dma_wait3A_147 : memref<1x128xf32, #tpu.memory_space<vmem>> -> memref<128xf32, #tpu.memory_space<vmem>>
      %dma_wait3A_149 = arith.constant 0 : i32
      %dma_wait3A_150 = tpu.memref_slice %arg9[%scan3A_137, %dma_wait3A_149] : memref<160x128xi32, #tpu.memory_space<vmem>> -> memref<1x128xi32, #tpu.memory_space<vmem>>
      %dma_wait3A_151 = tpu.memref_squeeze %dma_wait3A_150 : memref<1x128xi32, #tpu.memory_space<vmem>> -> memref<128xi32, #tpu.memory_space<vmem>>
      %dma_wait3A_152 = arith.constant 0 : i32
      %dma_wait3A_153 = tpu.memref_slice %arg16[%dma_wait3A_152] : memref<10240xf32, #tpu.memory_space<vmem_shared>> -> memref<10240xf32, #tpu.memory_space<vmem_shared>>
      %dma_wait3A_154 = tpu.memref_slice %arg22[%rem3A_139] : memref<2x!tpu.dma_semaphore, #tpu.memory_space<semaphore_mem>> -> memref<1x!tpu.dma_semaphore, #tpu.memory_space<semaphore_mem>>
      %dma_wait3A_155 = tpu.memref_squeeze %dma_wait3A_154 : memref<1x!tpu.dma_semaphore, #tpu.memory_space<semaphore_mem>> -> memref<!tpu.dma_semaphore, #tpu.memory_space<semaphore_mem>>
      tpu.wait_indirect_dma semaphore(%dma_wait3A_155 : memref<!tpu.dma_semaphore, #tpu.memory_space<semaphore_mem>>) src(%dma_wait3A_153 : memref<10240xf32, #tpu.memory_space<vmem_shared>>) dst(%dma_wait3A_148 : memref<128xf32, #tpu.memory_space<vmem>>)
      %dma_wait3A_156 = arith.constant 0 : i32
      %dma_wait3A_157 = tpu.memref_slice %arg13[%rem3A_139, %dma_wait3A_156] : memref<2x128xf32, #tpu.memory_space<vmem>> -> memref<1x128xf32, #tpu.memory_space<vmem>>
      %dma_wait3A_158 = tpu.memref_squeeze %dma_wait3A_157 : memref<1x128xf32, #tpu.memory_space<vmem>> -> memref<128xf32, #tpu.memory_space<vmem>>
      %dma_wait3A_159 = arith.constant 0 : i32
      %dma_wait3A_160 = tpu.memref_slice %arg10[%scan3A_137, %dma_wait3A_159] : memref<160x128xi32, #tpu.memory_space<vmem>> -> memref<1x128xi32, #tpu.memory_space<vmem>>
      %dma_wait3A_161 = tpu.memref_squeeze %dma_wait3A_160 : memref<1x128xi32, #tpu.memory_space<vmem>> -> memref<128xi32, #tpu.memory_space<vmem>>
      %dma_wait3A_162 = arith.constant 0 : i32
      %dma_wait3A_163 = tpu.memref_slice %arg17[%dma_wait3A_162] : memref<10240xf32, #tpu.memory_space<vmem_shared>> -> memref<10240xf32, #tpu.memory_space<vmem_shared>>
      %dma_wait3A_164 = tpu.memref_slice %arg23[%rem3A_139] : memref<2x!tpu.dma_semaphore, #tpu.memory_space<semaphore_mem>> -> memref<1x!tpu.dma_semaphore, #tpu.memory_space<semaphore_mem>>
      %dma_wait3A_165 = tpu.memref_squeeze %dma_wait3A_164 : memref<1x!tpu.dma_semaphore, #tpu.memory_space<semaphore_mem>> -> memref<!tpu.dma_semaphore, #tpu.memory_space<semaphore_mem>>
      tpu.wait_indirect_dma semaphore(%dma_wait3A_165 : memref<!tpu.dma_semaphore, #tpu.memory_space<semaphore_mem>>) src(%dma_wait3A_163 : memref<10240xf32, #tpu.memory_space<vmem_shared>>) dst(%dma_wait3A_158 : memref<128xf32, #tpu.memory_space<vmem>>)
      %get3A = arith.index_cast %rem3A_139 : i32 to index
      %get3A_166 = arith.constant 0 : index
      %get3A_167 = tpu.vector_load %arg12[%get3A, %get3A_166] {strides = array<i32>} : memref<2x128xf32, #tpu.memory_space<vmem>>, vector<16xf32>,
      %get3A_168 = arith.index_cast %rem3A_139 : i32 to index
      %get3A_169 = arith.constant 0 : index
      %get3A_170 = tpu.vector_load %arg13[%get3A_168, %get3A_169] {strides = array<i32>} : memref<2x128xf32, #tpu.memory_space<vmem>>, vector<16xf32>,
      %add3A_171 = arith.addf %get3A_167, %get3A_170 : vector<16xf32>
      %mul3A_172 = arith.constant 2.000000e-01 : f32
      %mul3A_173 = vector.broadcast %mul3A_172 : f32 to vector<16xf32>
      %mul3A_174 = arith.mulf %mul3A_173, %add3A_171 : vector<16xf32>
      %max3A = arith.maximumf %add3A_171, %mul3A_174 : vector<16xf32>
      %exp3A = math.exp %max3A : vector<16xf32>
      %mul3A_175 = arith.constant 160 : i32
      %mul3A_176 = arith.muli %arg1, %mul3A_175 : i32
      %add3A_177 = arith.addi %mul3A_176, %scan3A_137 : i32
      %mul3A_178 = arith.constant 128 : i32
      %mul3A_179 = arith.muli %add3A_177, %mul3A_178 : i32
      %add3A_180 = arith.constant 0 : i32
      %add3A_181 = arith.addi %mul3A_179, %add3A_180 : i32
      %iota3A = tpu.iota {dimensions = array<i32: 0>} : vector<16xi32>
      %add3A_182 = vector.broadcast %add3A_181 : i32 to vector<16xi32>
      %add3A_183 = arith.addi %add3A_182, %iota3A : vector<16xi32>
      %lt3A = arith.constant 320000 : i32
      %lt3A_184 = vector.broadcast %lt3A : i32 to vector<16xi32>
      %lt3A_185 = arith.cmpi slt, %add3A_183, %lt3A_184 : vector<16xi32>
      %jit3A = arith.constant 0.000000e+00 : f32
      %broadcast_in_dim3A_186 = vector.broadcast %jit3A : f32 to vector<16xf32>
      %select_n3A = arith.select %lt3A_185, %exp3A, %broadcast_in_dim3A_186 : vector<16xi1>, vector<16xf32>
      %swap3A = arith.index_cast %scan3A_137 : i32 to index
      %swap3A_187 = arith.constant 0 : index
      %swap3A_188 = tpu.vector_load %arg11[%swap3A, %swap3A_187] {strides = array<i32>} : memref<160x128xf32, #tpu.memory_space<vmem>>, vector<16xf32>,
      tpu.vector_store %arg11[%swap3A, %swap3A_187], %select_n3A {strides = array<i32>} : memref<160x128xf32, #tpu.memory_space<vmem>>, vector<16xf32>,
      %get3A_189 = arith.index_cast %rem3A_139 : i32 to index
      %get3A_190 = arith.constant 16 : index
      %get3A_191 = tpu.vector_load %arg12[%get3A_189, %get3A_190] {strides = array<i32>} : memref<2x128xf32, #tpu.memory_space<vmem>>, vector<16xf32>,
      %get3A_192 = arith.index_cast %rem3A_139 : i32 to index
      %get3A_193 = arith.constant 16 : index
      %get3A_194 = tpu.vector_load %arg13[%get3A_192, %get3A_193] {strides = array<i32>} : memref<2x128xf32, #tpu.memory_space<vmem>>, vector<16xf32>,
      %add3A_195 = arith.addf %get3A_191, %get3A_194 : vector<16xf32>
      %mul3A_196 = arith.constant 2.000000e-01 : f32
      %mul3A_197 = vector.broadcast %mul3A_196 : f32 to vector<16xf32>
      %mul3A_198 = arith.mulf %mul3A_197, %add3A_195 : vector<16xf32>
      %max3A_199 = arith.maximumf %add3A_195, %mul3A_198 : vector<16xf32>
      %exp3A_200 = math.exp %max3A_199 : vector<16xf32>
      %mul3A_201 = arith.constant 160 : i32
      %mul3A_202 = arith.muli %arg1, %mul3A_201 : i32
      %add3A_203 = arith.addi %mul3A_202, %scan3A_137 : i32
      %mul3A_204 = arith.constant 128 : i32
      %mul3A_205 = arith.muli %add3A_203, %mul3A_204 : i32
      %add3A_206 = arith.constant 16 : i32
      %add3A_207 = arith.addi %mul3A_205, %add3A_206 : i32
      %iota3A_208 = tpu.iota {dimensions = array<i32: 0>} : vector<16xi32>
      %add3A_209 = vector.broadcast %add3A_207 : i32 to vector<16xi32>
      %add3A_210 = arith.addi %add3A_209, %iota3A_208 : vector<16xi32>
      %lt3A_211 = arith.constant 320000 : i32
      %lt3A_212 = vector.broadcast %lt3A_211 : i32 to vector<16xi32>
      %lt3A_213 = arith.cmpi slt, %add3A_210, %lt3A_212 : vector<16xi32>
      %jit3A_214 = arith.constant 0.000000e+00 : f32
      %broadcast_in_dim3A_215 = vector.broadcast %jit3A_214 : f32 to vector<16xf32>
      %select_n3A_216 = arith.select %lt3A_213, %exp3A_200, %broadcast_in_dim3A_215 : vector<16xi1>, vector<16xf32>
      %swap3A_217 = arith.index_cast %scan3A_137 : i32 to index
      %swap3A_218 = arith.constant 16 : index
      %swap3A_219 = tpu.vector_load %arg11[%swap3A_217, %swap3A_218] {strides = array<i32>} : memref<160x128xf32, #tpu.memory_space<vmem>>, vector<16xf32>,
      tpu.vector_store %arg11[%swap3A_217, %swap3A_218], %select_n3A_216 {strides = array<i32>} : memref<160x128xf32, #tpu.memory_space<vmem>>, vector<16xf32>,
      %get3A_220 = arith.index_cast %rem3A_139 : i32 to index
      %get3A_221 = arith.constant 32 : index
      %get3A_222 = tpu.vector_load %arg12[%get3A_220, %get3A_221] {strides = array<i32>} : memref<2x128xf32, #tpu.memory_space<vmem>>, vector<16xf32>,
      %get3A_223 = arith.index_cast %rem3A_139 : i32 to index
      %get3A_224 = arith.constant 32 : index
      %get3A_225 = tpu.vector_load %arg13[%get3A_223, %get3A_224] {strides = array<i32>} : memref<2x128xf32, #tpu.memory_space<vmem>>, vector<16xf32>,
      %add3A_226 = arith.addf %get3A_222, %get3A_225 : vector<16xf32>
      %mul3A_227 = arith.constant 2.000000e-01 : f32
      %mul3A_228 = vector.broadcast %mul3A_227 : f32 to vector<16xf32>
      %mul3A_229 = arith.mulf %mul3A_228, %add3A_226 : vector<16xf32>
      %max3A_230 = arith.maximumf %add3A_226, %mul3A_229 : vector<16xf32>
      %exp3A_231 = math.exp %max3A_230 : vector<16xf32>
      %mul3A_232 = arith.constant 160 : i32
      %mul3A_233 = arith.muli %arg1, %mul3A_232 : i32
      %add3A_234 = arith.addi %mul3A_233, %scan3A_137 : i32
      %mul3A_235 = arith.constant 128 : i32
      %mul3A_236 = arith.muli %add3A_234, %mul3A_235 : i32
      %add3A_237 = arith.constant 32 : i32
      %add3A_238 = arith.addi %mul3A_236, %add3A_237 : i32
      %iota3A_239 = tpu.iota {dimensions = array<i32: 0>} : vector<16xi32>
      %add3A_240 = vector.broadcast %add3A_238 : i32 to vector<16xi32>
      %add3A_241 = arith.addi %add3A_240, %iota3A_239 : vector<16xi32>
      %lt3A_242 = arith.constant 320000 : i32
      %lt3A_243 = vector.broadcast %lt3A_242 : i32 to vector<16xi32>
      %lt3A_244 = arith.cmpi slt, %add3A_241, %lt3A_243 : vector<16xi32>
      %jit3A_245 = arith.constant 0.000000e+00 : f32
      %broadcast_in_dim3A_246 = vector.broadcast %jit3A_245 : f32 to vector<16xf32>
      %select_n3A_247 = arith.select %lt3A_244, %exp3A_231, %broadcast_in_dim3A_246 : vector<16xi1>, vector<16xf32>
      %swap3A_248 = arith.index_cast %scan3A_137 : i32 to index
      %swap3A_249 = arith.constant 32 : index
      %swap3A_250 = tpu.vector_load %arg11[%swap3A_248, %swap3A_249] {strides = array<i32>} : memref<160x128xf32, #tpu.memory_space<vmem>>, vector<16xf32>,
      tpu.vector_store %arg11[%swap3A_248, %swap3A_249], %select_n3A_247 {strides = array<i32>} : memref<160x128xf32, #tpu.memory_space<vmem>>, vector<16xf32>,
      %get3A_251 = arith.index_cast %rem3A_139 : i32 to index
      %get3A_252 = arith.constant 48 : index
      %get3A_253 = tpu.vector_load %arg12[%get3A_251, %get3A_252] {strides = array<i32>} : memref<2x128xf32, #tpu.memory_space<vmem>>, vector<16xf32>,
      %get3A_254 = arith.index_cast %rem3A_139 : i32 to index
      %get3A_255 = arith.constant 48 : index
      %get3A_256 = tpu.vector_load %arg13[%get3A_254, %get3A_255] {strides = array<i32>} : memref<2x128xf32, #tpu.memory_space<vmem>>, vector<16xf32>,
      %add3A_257 = arith.addf %get3A_253, %get3A_256 : vector<16xf32>
      %mul3A_258 = arith.constant 2.000000e-01 : f32
      %mul3A_259 = vector.broadcast %mul3A_258 : f32 to vector<16xf32>
      %mul3A_260 = arith.mulf %mul3A_259, %add3A_257 : vector<16xf32>
      %max3A_261 = arith.maximumf %add3A_257, %mul3A_260 : vector<16xf32>
      %exp3A_262 = math.exp %max3A_261 : vector<16xf32>
      %mul3A_263 = arith.constant 160 : i32
      %mul3A_264 = arith.muli %arg1, %mul3A_263 : i32
      %add3A_265 = arith.addi %mul3A_264, %scan3A_137 : i32
      %mul3A_266 = arith.constant 128 : i32
      %mul3A_267 = arith.muli %add3A_265, %mul3A_266 : i32
      %add3A_268 = arith.constant 48 : i32
      %add3A_269 = arith.addi %mul3A_267, %add3A_268 : i32
      %iota3A_270 = tpu.iota {dimensions = array<i32: 0>} : vector<16xi32>
      %add3A_271 = vector.broadcast %add3A_269 : i32 to vector<16xi32>
      %add3A_272 = arith.addi %add3A_271, %iota3A_270 : vector<16xi32>
      %lt3A_273 = arith.constant 320000 : i32
      %lt3A_274 = vector.broadcast %lt3A_273 : i32 to vector<16xi32>
      %lt3A_275 = arith.cmpi slt, %add3A_272, %lt3A_274 : vector<16xi32>
      %jit3A_276 = arith.constant 0.000000e+00 : f32
      %broadcast_in_dim3A_277 = vector.broadcast %jit3A_276 : f32 to vector<16xf32>
      %select_n3A_278 = arith.select %lt3A_275, %exp3A_262, %broadcast_in_dim3A_277 : vector<16xi1>, vector<16xf32>
      %swap3A_279 = arith.index_cast %scan3A_137 : i32 to index
      %swap3A_280 = arith.constant 48 : index
      %swap3A_281 = tpu.vector_load %arg11[%swap3A_279, %swap3A_280] {strides = array<i32>} : memref<160x128xf32, #tpu.memory_space<vmem>>, vector<16xf32>,
      tpu.vector_store %arg11[%swap3A_279, %swap3A_280], %select_n3A_278 {strides = array<i32>} : memref<160x128xf32, #tpu.memory_space<vmem>>, vector<16xf32>,
      %get3A_282 = arith.index_cast %rem3A_139 : i32 to index
      %get3A_283 = arith.constant 64 : index
      %get3A_284 = tpu.vector_load %arg12[%get3A_282, %get3A_283] {strides = array<i32>} : memref<2x128xf32, #tpu.memory_space<vmem>>, vector<16xf32>,
      %get3A_285 = arith.index_cast %rem3A_139 : i32 to index
      %get3A_286 = arith.constant 64 : index
      %get3A_287 = tpu.vector_load %arg13[%get3A_285, %get3A_286] {strides = array<i32>} : memref<2x128xf32, #tpu.memory_space<vmem>>, vector<16xf32>,
      %add3A_288 = arith.addf %get3A_284, %get3A_287 : vector<16xf32>
      %mul3A_289 = arith.constant 2.000000e-01 : f32
      %mul3A_290 = vector.broadcast %mul3A_289 : f32 to vector<16xf32>
      %mul3A_291 = arith.mulf %mul3A_290, %add3A_288 : vector<16xf32>
      %max3A_292 = arith.maximumf %add3A_288, %mul3A_291 : vector<16xf32>
      %exp3A_293 = math.exp %max3A_292 : vector<16xf32>
      %mul3A_294 = arith.constant 160 : i32
      %mul3A_295 = arith.muli %arg1, %mul3A_294 : i32
      %add3A_296 = arith.addi %mul3A_295, %scan3A_137 : i32
      %mul3A_297 = arith.constant 128 : i32
      %mul3A_298 = arith.muli %add3A_296, %mul3A_297 : i32
      %add3A_299 = arith.constant 64 : i32
      %add3A_300 = arith.addi %mul3A_298, %add3A_299 : i32
      %iota3A_301 = tpu.iota {dimensions = array<i32: 0>} : vector<16xi32>
      %add3A_302 = vector.broadcast %add3A_300 : i32 to vector<16xi32>
      %add3A_303 = arith.addi %add3A_302, %iota3A_301 : vector<16xi32>
      %lt3A_304 = arith.constant 320000 : i32
      %lt3A_305 = vector.broadcast %lt3A_304 : i32 to vector<16xi32>
      %lt3A_306 = arith.cmpi slt, %add3A_303, %lt3A_305 : vector<16xi32>
      %jit3A_307 = arith.constant 0.000000e+00 : f32
      %broadcast_in_dim3A_308 = vector.broadcast %jit3A_307 : f32 to vector<16xf32>
      %select_n3A_309 = arith.select %lt3A_306, %exp3A_293, %broadcast_in_dim3A_308 : vector<16xi1>, vector<16xf32>
      %swap3A_310 = arith.index_cast %scan3A_137 : i32 to index
      %swap3A_311 = arith.constant 64 : index
      %swap3A_312 = tpu.vector_load %arg11[%swap3A_310, %swap3A_311] {strides = array<i32>} : memref<160x128xf32, #tpu.memory_space<vmem>>, vector<16xf32>,
      tpu.vector_store %arg11[%swap3A_310, %swap3A_311], %select_n3A_309 {strides = array<i32>} : memref<160x128xf32, #tpu.memory_space<vmem>>, vector<16xf32>,
      %get3A_313 = arith.index_cast %rem3A_139 : i32 to index
      %get3A_314 = arith.constant 80 : index
      %get3A_315 = tpu.vector_load %arg12[%get3A_313, %get3A_314] {strides = array<i32>} : memref<2x128xf32, #tpu.memory_space<vmem>>, vector<16xf32>,
      %get3A_316 = arith.index_cast %rem3A_139 : i32 to index
      %get3A_317 = arith.constant 80 : index
      %get3A_318 = tpu.vector_load %arg13[%get3A_316, %get3A_317] {strides = array<i32>} : memref<2x128xf32, #tpu.memory_space<vmem>>, vector<16xf32>,
      %add3A_319 = arith.addf %get3A_315, %get3A_318 : vector<16xf32>
      %mul3A_320 = arith.constant 2.000000e-01 : f32
      %mul3A_321 = vector.broadcast %mul3A_320 : f32 to vector<16xf32>
      %mul3A_322 = arith.mulf %mul3A_321, %add3A_319 : vector<16xf32>
      %max3A_323 = arith.maximumf %add3A_319, %mul3A_322 : vector<16xf32>
      %exp3A_324 = math.exp %max3A_323 : vector<16xf32>
      %mul3A_325 = arith.constant 160 : i32
      %mul3A_326 = arith.muli %arg1, %mul3A_325 : i32
      %add3A_327 = arith.addi %mul3A_326, %scan3A_137 : i32
      %mul3A_328 = arith.constant 128 : i32
      %mul3A_329 = arith.muli %add3A_327, %mul3A_328 : i32
      %add3A_330 = arith.constant 80 : i32
      %add3A_331 = arith.addi %mul3A_329, %add3A_330 : i32
      %iota3A_332 = tpu.iota {dimensions = array<i32: 0>} : vector<16xi32>
      %add3A_333 = vector.broadcast %add3A_331 : i32 to vector<16xi32>
      %add3A_334 = arith.addi %add3A_333, %iota3A_332 : vector<16xi32>
      %lt3A_335 = arith.constant 320000 : i32
      %lt3A_336 = vector.broadcast %lt3A_335 : i32 to vector<16xi32>
      %lt3A_337 = arith.cmpi slt, %add3A_334, %lt3A_336 : vector<16xi32>
      %jit3A_338 = arith.constant 0.000000e+00 : f32
      %broadcast_in_dim3A_339 = vector.broadcast %jit3A_338 : f32 to vector<16xf32>
      %select_n3A_340 = arith.select %lt3A_337, %exp3A_324, %broadcast_in_dim3A_339 : vector<16xi1>, vector<16xf32>
      %swap3A_341 = arith.index_cast %scan3A_137 : i32 to index
      %swap3A_342 = arith.constant 80 : index
      %swap3A_343 = tpu.vector_load %arg11[%swap3A_341, %swap3A_342] {strides = array<i32>} : memref<160x128xf32, #tpu.memory_space<vmem>>, vector<16xf32>,
      tpu.vector_store %arg11[%swap3A_341, %swap3A_342], %select_n3A_340 {strides = array<i32>} : memref<160x128xf32, #tpu.memory_space<vmem>>, vector<16xf32>,
      %get3A_344 = arith.index_cast %rem3A_139 : i32 to index
      %get3A_345 = arith.constant 96 : index
      %get3A_346 = tpu.vector_load %arg12[%get3A_344, %get3A_345] {strides = array<i32>} : memref<2x128xf32, #tpu.memory_space<vmem>>, vector<16xf32>,
      %get3A_347 = arith.index_cast %rem3A_139 : i32 to index
      %get3A_348 = arith.constant 96 : index
      %get3A_349 = tpu.vector_load %arg13[%get3A_347, %get3A_348] {strides = array<i32>} : memref<2x128xf32, #tpu.memory_space<vmem>>, vector<16xf32>,
      %add3A_350 = arith.addf %get3A_346, %get3A_349 : vector<16xf32>
      %mul3A_351 = arith.constant 2.000000e-01 : f32
      %mul3A_352 = vector.broadcast %mul3A_351 : f32 to vector<16xf32>
      %mul3A_353 = arith.mulf %mul3A_352, %add3A_350 : vector<16xf32>
      %max3A_354 = arith.maximumf %add3A_350, %mul3A_353 : vector<16xf32>
      %exp3A_355 = math.exp %max3A_354 : vector<16xf32>
      %mul3A_356 = arith.constant 160 : i32
      %mul3A_357 = arith.muli %arg1, %mul3A_356 : i32
      %add3A_358 = arith.addi %mul3A_357, %scan3A_137 : i32
      %mul3A_359 = arith.constant 128 : i32
      %mul3A_360 = arith.muli %add3A_358, %mul3A_359 : i32
      %add3A_361 = arith.constant 96 : i32
      %add3A_362 = arith.addi %mul3A_360, %add3A_361 : i32
      %iota3A_363 = tpu.iota {dimensions = array<i32: 0>} : vector<16xi32>
      %add3A_364 = vector.broadcast %add3A_362 : i32 to vector<16xi32>
      %add3A_365 = arith.addi %add3A_364, %iota3A_363 : vector<16xi32>
      %lt3A_366 = arith.constant 320000 : i32
      %lt3A_367 = vector.broadcast %lt3A_366 : i32 to vector<16xi32>
      %lt3A_368 = arith.cmpi slt, %add3A_365, %lt3A_367 : vector<16xi32>
      %jit3A_369 = arith.constant 0.000000e+00 : f32
      %broadcast_in_dim3A_370 = vector.broadcast %jit3A_369 : f32 to vector<16xf32>
      %select_n3A_371 = arith.select %lt3A_368, %exp3A_355, %broadcast_in_dim3A_370 : vector<16xi1>, vector<16xf32>
      %swap3A_372 = arith.index_cast %scan3A_137 : i32 to index
      %swap3A_373 = arith.constant 96 : index
      %swap3A_374 = tpu.vector_load %arg11[%swap3A_372, %swap3A_373] {strides = array<i32>} : memref<160x128xf32, #tpu.memory_space<vmem>>, vector<16xf32>,
      tpu.vector_store %arg11[%swap3A_372, %swap3A_373], %select_n3A_371 {strides = array<i32>} : memref<160x128xf32, #tpu.memory_space<vmem>>, vector<16xf32>,
      %get3A_375 = arith.index_cast %rem3A_139 : i32 to index
      %get3A_376 = arith.constant 112 : index
      %get3A_377 = tpu.vector_load %arg12[%get3A_375, %get3A_376] {strides = array<i32>} : memref<2x128xf32, #tpu.memory_space<vmem>>, vector<16xf32>,
      %get3A_378 = arith.index_cast %rem3A_139 : i32 to index
      %get3A_379 = arith.constant 112 : index
      %get3A_380 = tpu.vector_load %arg13[%get3A_378, %get3A_379] {strides = array<i32>} : memref<2x128xf32, #tpu.memory_space<vmem>>, vector<16xf32>,
      %add3A_381 = arith.addf %get3A_377, %get3A_380 : vector<16xf32>
      %mul3A_382 = arith.constant 2.000000e-01 : f32
      %mul3A_383 = vector.broadcast %mul3A_382 : f32 to vector<16xf32>
      %mul3A_384 = arith.mulf %mul3A_383, %add3A_381 : vector<16xf32>
      %max3A_385 = arith.maximumf %add3A_381, %mul3A_384 : vector<16xf32>
      %exp3A_386 = math.exp %max3A_385 : vector<16xf32>
      %mul3A_387 = arith.constant 160 : i32
      %mul3A_388 = arith.muli %arg1, %mul3A_387 : i32
      %add3A_389 = arith.addi %mul3A_388, %scan3A_137 : i32
      %mul3A_390 = arith.constant 128 : i32
      %mul3A_391 = arith.muli %add3A_389, %mul3A_390 : i32
      %add3A_392 = arith.constant 112 : i32
      %add3A_393 = arith.addi %mul3A_391, %add3A_392 : i32
      %iota3A_394 = tpu.iota {dimensions = array<i32: 0>} : vector<16xi32>
      %add3A_395 = vector.broadcast %add3A_393 : i32 to vector<16xi32>
      %add3A_396 = arith.addi %add3A_395, %iota3A_394 : vector<16xi32>
      %lt3A_397 = arith.constant 320000 : i32
      %lt3A_398 = vector.broadcast %lt3A_397 : i32 to vector<16xi32>
      %lt3A_399 = arith.cmpi slt, %add3A_396, %lt3A_398 : vector<16xi32>
      %jit3A_400 = arith.constant 0.000000e+00 : f32
      %broadcast_in_dim3A_401 = vector.broadcast %jit3A_400 : f32 to vector<16xf32>
      %select_n3A_402 = arith.select %lt3A_399, %exp3A_386, %broadcast_in_dim3A_401 : vector<16xi1>, vector<16xf32>
      %swap3A_403 = arith.index_cast %scan3A_137 : i32 to index
      %swap3A_404 = arith.constant 112 : index
      %swap3A_405 = tpu.vector_load %arg11[%swap3A_403, %swap3A_404] {strides = array<i32>} : memref<160x128xf32, #tpu.memory_space<vmem>>, vector<16xf32>,
      tpu.vector_store %arg11[%swap3A_403, %swap3A_404], %select_n3A_402 {strides = array<i32>} : memref<160x128xf32, #tpu.memory_space<vmem>>, vector<16xf32>,
      %dma_start3A_406 = arith.constant 0 : i32
      %dma_start3A_407 = tpu.memref_slice %arg11[%scan3A_137, %dma_start3A_406] : memref<160x128xf32, #tpu.memory_space<vmem>> -> memref<1x128xf32, #tpu.memory_space<vmem>>
      %dma_start3A_408 = tpu.memref_squeeze %dma_start3A_407 : memref<1x128xf32, #tpu.memory_space<vmem>> -> memref<128xf32, #tpu.memory_space<vmem>>
      %dma_start3A_409 = arith.constant 0 : i32
      %dma_start3A_410 = tpu.memref_slice %arg10[%scan3A_137, %dma_start3A_409] : memref<160x128xi32, #tpu.memory_space<vmem>> -> memref<1x128xi32, #tpu.memory_space<vmem>>
      %dma_start3A_411 = tpu.memref_squeeze %dma_start3A_410 : memref<1x128xi32, #tpu.memory_space<vmem>> -> memref<128xi32, #tpu.memory_space<vmem>>
      %dma_start3A_412 = arith.constant 0 : i32
      %dma_start3A_413 = tpu.memref_slice %arg19[%dma_start3A_412] : memref<16384xf32, #tpu.memory_space<vmem_shared>> -> memref<16384xf32, #tpu.memory_space<vmem_shared>>
      tpu.enqueue_indirect_dma source(%dma_start3A_408 : memref<128xf32, #tpu.memory_space<vmem>>) target(%dma_start3A_413 : memref<16384xf32, #tpu.memory_space<vmem_shared>>) offsets(%dma_start3A_411 : memref<128xi32, #tpu.memory_space<vmem>>) semaphore(%arg24 : memref<!tpu.dma_semaphore, #tpu.memory_space<semaphore_mem>>) {add = true}
      %lt3A_414 = arith.constant 160 : i32
      %lt3A_415 = arith.cmpi slt, %add3A_143, %lt3A_414 : i32
      %convert_element_type3A_416 = arith.extui %lt3A_415 : i1 to i32
      %cond3A_417 = arith.constant 0 : i32
      %cond3A_418 = arith.cmpi ne, %convert_element_type3A_416, %cond3A_417 : i32
      scf.if %cond3A_418 {
        %rem3A_467 = arith.constant 2 : i32
        %rem3A_468 = arith.remsi %add3A_143, %rem3A_467 : i32
        %dma_start3A_469 = arith.constant 0 : i32
        %dma_start3A_470 = tpu.memref_slice %arg12[%rem3A_468, %dma_start3A_469] : memref<2x128xf32, #tpu.memory_space<vmem>> -> memref<1x128xf32, #tpu.memory_space<vmem>>
        %dma_start3A_471 = tpu.memref_squeeze %dma_start3A_470 : memref<1x128xf32, #tpu.memory_space<vmem>> -> memref<128xf32, #tpu.memory_space<vmem>>
        %dma_start3A_472 = arith.constant 0 : i32
        %dma_start3A_473 = tpu.memref_slice %arg9[%add3A_143, %dma_start3A_472] : memref<160x128xi32, #tpu.memory_space<vmem>> -> memref<1x128xi32, #tpu.memory_space<vmem>>
        %dma_start3A_474 = tpu.memref_squeeze %dma_start3A_473 : memref<1x128xi32, #tpu.memory_space<vmem>> -> memref<128xi32, #tpu.memory_space<vmem>>
        %dma_start3A_475 = arith.constant 0 : i32
        %dma_start3A_476 = tpu.memref_slice %arg16[%dma_start3A_475] : memref<10240xf32, #tpu.memory_space<vmem_shared>> -> memref<10240xf32, #tpu.memory_space<vmem_shared>>
        %dma_start3A_477 = tpu.memref_slice %arg22[%rem3A_468] : memref<2x!tpu.dma_semaphore, #tpu.memory_space<semaphore_mem>> -> memref<1x!tpu.dma_semaphore, #tpu.memory_space<semaphore_mem>>
        %dma_start3A_478 = tpu.memref_squeeze %dma_start3A_477 : memref<1x!tpu.dma_semaphore, #tpu.memory_space<semaphore_mem>> -> memref<!tpu.dma_semaphore, #tpu.memory_space<semaphore_mem>>
        tpu.enqueue_indirect_dma source(%dma_start3A_476 : memref<10240xf32, #tpu.memory_space<vmem_shared>>) target(%dma_start3A_471 : memref<128xf32, #tpu.memory_space<vmem>>) offsets(%dma_start3A_474 : memref<128xi32, #tpu.memory_space<vmem>>) semaphore(%dma_start3A_478 : memref<!tpu.dma_semaphore, #tpu.memory_space<semaphore_mem>>)
        %dma_start3A_479 = arith.constant 0 : i32
        %dma_start3A_480 = tpu.memref_slice %arg13[%rem3A_468, %dma_start3A_479] : memref<2x128xf32, #tpu.memory_space<vmem>> -> memref<1x128xf32, #tpu.memory_space<vmem>>
        %dma_start3A_481 = tpu.memref_squeeze %dma_start3A_480 : memref<1x128xf32, #tpu.memory_space<vmem>> -> memref<128xf32, #tpu.memory_space<vmem>>
        %dma_start3A_482 = arith.constant 0 : i32
        %dma_start3A_483 = tpu.memref_slice %arg10[%add3A_143, %dma_start3A_482] : memref<160x128xi32, #tpu.memory_space<vmem>> -> memref<1x128xi32, #tpu.memory_space<vmem>>
        %dma_start3A_484 = tpu.memref_squeeze %dma_start3A_483 : memref<1x128xi32, #tpu.memory_space<vmem>> -> memref<128xi32, #tpu.memory_space<vmem>>
        %dma_start3A_485 = arith.constant 0 : i32
        %dma_start3A_486 = tpu.memref_slice %arg17[%dma_start3A_485] : memref<10240xf32, #tpu.memory_space<vmem_shared>> -> memref<10240xf32, #tpu.memory_space<vmem_shared>>
        %dma_start3A_487 = tpu.memref_slice %arg23[%rem3A_468] : memref<2x!tpu.dma_semaphore, #tpu.memory_space<semaphore_mem>> -> memref<1x!tpu.dma_semaphore, #tpu.memory_space<semaphore_mem>>
        %dma_start3A_488 = tpu.memref_squeeze %dma_start3A_487 : memref<1x!tpu.dma_semaphore, #tpu.memory_space<semaphore_mem>> -> memref<!tpu.dma_semaphore, #tpu.memory_space<semaphore_mem>>
        tpu.enqueue_indirect_dma source(%dma_start3A_486 : memref<10240xf32, #tpu.memory_space<vmem_shared>>) target(%dma_start3A_481 : memref<128xf32, #tpu.memory_space<vmem>>) offsets(%dma_start3A_484 : memref<128xi32, #tpu.memory_space<vmem>>) semaphore(%dma_start3A_488 : memref<!tpu.dma_semaphore, #tpu.memory_space<semaphore_mem>>)
      } else {
      }
      %ge3A = arith.constant 3 : i32
      %ge3A_419 = arith.cmpi sge, %add3A_143, %ge3A : i32
      %lt3A_420 = arith.constant 160 : i32
      %lt3A_421 = arith.cmpi slt, %add3A_143, %lt3A_420 : i32
      %and3A = arith.andi %ge3A_419, %lt3A_421 : i1
      %convert_element_type3A_422 = arith.extui %and3A : i1 to i32
      %cond3A_423 = arith.constant 0 : i32
      %cond3A_424 = arith.cmpi ne, %convert_element_type3A_422, %cond3A_423 : i32
      scf.if %cond3A_424 {
        %sub3A = arith.constant 3 : i32
        %sub3A_467 = arith.subi %add3A_143, %sub3A : i32
        %dma_wait3A_468 = arith.constant 0 : i32
        %dma_wait3A_469 = arith.constant 0 : i32
        %dma_wait3A_470 = tpu.memref_slice %arg14[%rem3A_145, %dma_wait3A_468, %dma_wait3A_469] : memref<3x128x64xf32, #tpu.memory_space<vmem>> -> memref<1x128x64xf32, #tpu.memory_space<vmem>>
        %dma_wait3A_471 = tpu.memref_squeeze %dma_wait3A_470 : memref<1x128x64xf32, #tpu.memory_space<vmem>> -> memref<128x64xf32, #tpu.memory_space<vmem>>
        %dma_wait3A_472 = arith.constant 0 : i32
        %dma_wait3A_473 = tpu.memref_slice %arg10[%sub3A_467, %dma_wait3A_472] : memref<160x128xi32, #tpu.memory_space<vmem>> -> memref<1x128xi32, #tpu.memory_space<vmem>>
        %dma_wait3A_474 = tpu.memref_squeeze %dma_wait3A_473 : memref<1x128xi32, #tpu.memory_space<vmem>> -> memref<128xi32, #tpu.memory_space<vmem>>
        %dma_wait3A_475 = arith.constant 0 : i32
        %dma_wait3A_476 = arith.constant 0 : i32
        %dma_wait3A_477 = tpu.memref_slice %arg18[%dma_wait3A_475, %dma_wait3A_476] : memref<10112x64xf32, #tpu.memory_space<vmem_shared>> -> memref<10112x64xf32, #tpu.memory_space<vmem_shared>>
        %dma_wait3A_478 = tpu.memref_slice %arg21[%rem3A_145] : memref<3x!tpu.dma_semaphore, #tpu.memory_space<semaphore_mem>> -> memref<1x!tpu.dma_semaphore, #tpu.memory_space<semaphore_mem>>
        %dma_wait3A_479 = tpu.memref_squeeze %dma_wait3A_478 : memref<1x!tpu.dma_semaphore, #tpu.memory_space<semaphore_mem>> -> memref<!tpu.dma_semaphore, #tpu.memory_space<semaphore_mem>>
        tpu.wait_indirect_dma semaphore(%dma_wait3A_479 : memref<!tpu.dma_semaphore, #tpu.memory_space<semaphore_mem>>) src(%dma_wait3A_471 : memref<128x64xf32, #tpu.memory_space<vmem>>) dst(%dma_wait3A_477 : memref<10112x64xf32, #tpu.memory_space<vmem_shared>>)
      } else {
      }
      %lt3A_425 = arith.constant 160 : i32
      %lt3A_426 = arith.cmpi slt, %add3A_143, %lt3A_425 : i32
      %convert_element_type3A_427 = arith.extui %lt3A_426 : i1 to i32
      %cond3A_428 = arith.constant 0 : i32
      %cond3A_429 = arith.cmpi ne, %convert_element_type3A_427, %cond3A_428 : i32
      scf.if %cond3A_429 {
        %dma_start3A_467 = arith.constant 0 : i32
        %dma_start3A_468 = arith.constant 0 : i32
        %dma_start3A_469 = tpu.memref_slice %arg14[%rem3A_145, %dma_start3A_467, %dma_start3A_468] : memref<3x128x64xf32, #tpu.memory_space<vmem>> -> memref<1x128x64xf32, #tpu.memory_space<vmem>>
        %dma_start3A_470 = tpu.memref_squeeze %dma_start3A_469 : memref<1x128x64xf32, #tpu.memory_space<vmem>> -> memref<128x64xf32, #tpu.memory_space<vmem>>
        %dma_start3A_471 = arith.constant 0 : i32
        %dma_start3A_472 = tpu.memref_slice %arg9[%add3A_143, %dma_start3A_471] : memref<160x128xi32, #tpu.memory_space<vmem>> -> memref<1x128xi32, #tpu.memory_space<vmem>>
        %dma_start3A_473 = tpu.memref_squeeze %dma_start3A_472 : memref<1x128xi32, #tpu.memory_space<vmem>> -> memref<128xi32, #tpu.memory_space<vmem>>
        %dma_start3A_474 = arith.constant 0 : i32
        %dma_start3A_475 = arith.constant 0 : i32
        %dma_start3A_476 = tpu.memref_slice %arg6[%arg0, %dma_start3A_474, %dma_start3A_475] : memref<2x10000x64xf32, #tpu.memory_space<hbm>> -> memref<1x10000x64xf32, #tpu.memory_space<hbm>>
        %dma_start3A_477 = tpu.memref_squeeze %dma_start3A_476 : memref<1x10000x64xf32, #tpu.memory_space<hbm>> -> memref<10000x64xf32, #tpu.memory_space<hbm>>
        %dma_start3A_478 = arith.constant 0 : i32
        %dma_start3A_479 = arith.constant 0 : i32
        %dma_start3A_480 = tpu.memref_slice %dma_start3A_477[%dma_start3A_478, %dma_start3A_479] : memref<10000x64xf32, #tpu.memory_space<hbm>> -> memref<10000x64xf32, #tpu.memory_space<hbm>>
        %dma_start3A_481 = tpu.memref_slice %arg20[%rem3A_145] : memref<3x!tpu.dma_semaphore, #tpu.memory_space<semaphore_mem>> -> memref<1x!tpu.dma_semaphore, #tpu.memory_space<semaphore_mem>>
        %dma_start3A_482 = tpu.memref_squeeze %dma_start3A_481 : memref<1x!tpu.dma_semaphore, #tpu.memory_space<semaphore_mem>> -> memref<!tpu.dma_semaphore, #tpu.memory_space<semaphore_mem>>
        tpu.enqueue_indirect_dma source(%dma_start3A_480 : memref<10000x64xf32, #tpu.memory_space<hbm>>) target(%dma_start3A_470 : memref<128x64xf32, #tpu.memory_space<vmem>>) offsets(%dma_start3A_473 : memref<128xi32, #tpu.memory_space<vmem>>) semaphore(%dma_start3A_482 : memref<!tpu.dma_semaphore, #tpu.memory_space<semaphore_mem>>)
      } else {
      }
      %dma_wait3A_430 = arith.constant 0 : i32
      %dma_wait3A_431 = arith.constant 0 : i32
      %dma_wait3A_432 = tpu.memref_slice %arg14[%rem3A_141, %dma_wait3A_430, %dma_wait3A_431] : memref<3x128x64xf32, #tpu.memory_space<vmem>> -> memref<1x128x64xf32, #tpu.memory_space<vmem>>
      %dma_wait3A_433 = tpu.memref_squeeze %dma_wait3A_432 : memref<1x128x64xf32, #tpu.memory_space<vmem>> -> memref<128x64xf32, #tpu.memory_space<vmem>>
      %dma_wait3A_434 = arith.constant 0 : i32
      %dma_wait3A_435 = tpu.memref_slice %arg9[%scan3A_137, %dma_wait3A_434] : memref<160x128xi32, #tpu.memory_space<vmem>> -> memref<1x128xi32, #tpu.memory_space<vmem>>
      %dma_wait3A_436 = tpu.memref_squeeze %dma_wait3A_435 : memref<1x128xi32, #tpu.memory_space<vmem>> -> memref<128xi32, #tpu.memory_space<vmem>>
      %dma_wait3A_437 = arith.constant 0 : i32
      %dma_wait3A_438 = arith.constant 0 : i32
      %dma_wait3A_439 = tpu.memref_slice %arg6[%arg0, %dma_wait3A_437, %dma_wait3A_438] : memref<2x10000x64xf32, #tpu.memory_space<hbm>> -> memref<1x10000x64xf32, #tpu.memory_space<hbm>>
      %dma_wait3A_440 = tpu.memref_squeeze %dma_wait3A_439 : memref<1x10000x64xf32, #tpu.memory_space<hbm>> -> memref<10000x64xf32, #tpu.memory_space<hbm>>
      %dma_wait3A_441 = arith.constant 0 : i32
      %dma_wait3A_442 = arith.constant 0 : i32
      %dma_wait3A_443 = tpu.memref_slice %dma_wait3A_440[%dma_wait3A_441, %dma_wait3A_442] : memref<10000x64xf32, #tpu.memory_space<hbm>> -> memref<10000x64xf32, #tpu.memory_space<hbm>>
      %dma_wait3A_444 = tpu.memref_slice %arg20[%rem3A_141] : memref<3x!tpu.dma_semaphore, #tpu.memory_space<semaphore_mem>> -> memref<1x!tpu.dma_semaphore, #tpu.memory_space<semaphore_mem>>
      %dma_wait3A_445 = tpu.memref_squeeze %dma_wait3A_444 : memref<1x!tpu.dma_semaphore, #tpu.memory_space<semaphore_mem>> -> memref<!tpu.dma_semaphore, #tpu.memory_space<semaphore_mem>>
      tpu.wait_indirect_dma semaphore(%dma_wait3A_445 : memref<!tpu.dma_semaphore, #tpu.memory_space<semaphore_mem>>) src(%dma_wait3A_443 : memref<10000x64xf32, #tpu.memory_space<hbm>>) dst(%dma_wait3A_433 : memref<128x64xf32, #tpu.memory_space<vmem>>)
      %broadcast_in_dim3A_446 = vector.broadcast %scan3A_137 : i32 to vector<16xi32>
      %scan3A_447 = arith.constant 0 : i32
      %scan3A_448 = arith.constant 0 : i32
      %scan3A_449 = arith.constant 16 : i32
      %scan3A_450 = arith.addi %scan3A_448, %scan3A_449 : i32
      %scan3A_451 = arith.constant 1 : i32
      %scan3A_452 = scf.for %scan3A_467 = %scan3A_448 to %scan3A_450 step %scan3A_451 iter_args(%scan3A_468 = %scan3A_447) -> (i32)  : i32 {
        %mul3A_469 = arith.constant 8 : i32
        %mul3A_470 = arith.muli %scan3A_467, %mul3A_469 : i32
        %add3A_471 = arith.constant 0 : i32
        %add3A_472 = arith.addi %mul3A_470, %add3A_471 : i32
        %broadcast_in_dim3A_473 = vector.broadcast %add3A_472 : i32 to vector<16xi32>
        %gather3A = tpu.vector_load_idx %arg11[%broadcast_in_dim3A_446, %broadcast_in_dim3A_473] : memref<160x128xf32, #tpu.memory_space<vmem>>[vector<16xi32>, vector<16xi32>], vector<16xf32>,
        %get3A_474 = arith.index_cast %rem3A_141 : i32 to index
        %get3A_475 = arith.index_cast %add3A_472 : i32 to index
        %get3A_476 = arith.constant 0 : index
        %get3A_477 = tpu.vector_load %arg14[%get3A_474, %get3A_475, %get3A_476] {strides = array<i32>} : memref<3x128x64xf32, #tpu.memory_space<vmem>>, vector<16xf32>,
        %mul3A_478 = arith.mulf %get3A_477, %gather3A : vector<16xf32>
        %swap3A_479 = arith.index_cast %rem3A_141 : i32 to index
        %swap3A_480 = arith.index_cast %add3A_472 : i32 to index
        %swap3A_481 = arith.constant 0 : index
        %swap3A_482 = tpu.vector_load %arg14[%swap3A_479, %swap3A_480, %swap3A_481] {strides = array<i32>} : memref<3x128x64xf32, #tpu.memory_space<vmem>>, vector<16xf32>,
        tpu.vector_store %arg14[%swap3A_479, %swap3A_480, %swap3A_481], %mul3A_478 {strides = array<i32>} : memref<3x128x64xf32, #tpu.memory_space<vmem>>, vector<16xf32>,
        %get3A_483 = arith.index_cast %rem3A_141 : i32 to index
        %get3A_484 = arith.index_cast %add3A_472 : i32 to index
        %get3A_485 = arith.constant 16 : index
        %get3A_486 = tpu.vector_load %arg14[%get3A_483, %get3A_484, %get3A_485] {strides = array<i32>} : memref<3x128x64xf32, #tpu.memory_space<vmem>>, vector<16xf32>,
        %mul3A_487 = arith.mulf %get3A_486, %gather3A : vector<16xf32>
        %swap3A_488 = arith.index_cast %rem3A_141 : i32 to index
        %swap3A_489 = arith.index_cast %add3A_472 : i32 to index
        %swap3A_490 = arith.constant 16 : index
        %swap3A_491 = tpu.vector_load %arg14[%swap3A_488, %swap3A_489, %swap3A_490] {strides = array<i32>} : memref<3x128x64xf32, #tpu.memory_space<vmem>>, vector<16xf32>,
        tpu.vector_store %arg14[%swap3A_488, %swap3A_489, %swap3A_490], %mul3A_487 {strides = array<i32>} : memref<3x128x64xf32, #tpu.memory_space<vmem>>, vector<16xf32>,
        %get3A_492 = arith.index_cast %rem3A_141 : i32 to index
        %get3A_493 = arith.index_cast %add3A_472 : i32 to index
        %get3A_494 = arith.constant 32 : index
        %get3A_495 = tpu.vector_load %arg14[%get3A_492, %get3A_493, %get3A_494] {strides = array<i32>} : memref<3x128x64xf32, #tpu.memory_space<vmem>>, vector<16xf32>,
        %mul3A_496 = arith.mulf %get3A_495, %gather3A : vector<16xf32>
        %swap3A_497 = arith.index_cast %rem3A_141 : i32 to index
        %swap3A_498 = arith.index_cast %add3A_472 : i32 to index
        %swap3A_499 = arith.constant 32 : index
        %swap3A_500 = tpu.vector_load %arg14[%swap3A_497, %swap3A_498, %swap3A_499] {strides = array<i32>} : memref<3x128x64xf32, #tpu.memory_space<vmem>>, vector<16xf32>,
        tpu.vector_store %arg14[%swap3A_497, %swap3A_498, %swap3A_499], %mul3A_496 {strides = array<i32>} : memref<3x128x64xf32, #tpu.memory_space<vmem>>, vector<16xf32>,
        %get3A_501 = arith.index_cast %rem3A_141 : i32 to index
        %get3A_502 = arith.index_cast %add3A_472 : i32 to index
        %get3A_503 = arith.constant 48 : index
        %get3A_504 = tpu.vector_load %arg14[%get3A_501, %get3A_502, %get3A_503] {strides = array<i32>} : memref<3x128x64xf32, #tpu.memory_space<vmem>>, vector<16xf32>,
        %mul3A_505 = arith.mulf %get3A_504, %gather3A : vector<16xf32>
        %swap3A_506 = arith.index_cast %rem3A_141 : i32 to index
        %swap3A_507 = arith.index_cast %add3A_472 : i32 to index
        %swap3A_508 = arith.constant 48 : index
        %swap3A_509 = tpu.vector_load %arg14[%swap3A_506, %swap3A_507, %swap3A_508] {strides = array<i32>} : memref<3x128x64xf32, #tpu.memory_space<vmem>>, vector<16xf32>,
        tpu.vector_store %arg14[%swap3A_506, %swap3A_507, %swap3A_508], %mul3A_505 {strides = array<i32>} : memref<3x128x64xf32, #tpu.memory_space<vmem>>, vector<16xf32>,
        %mul3A_510 = arith.constant 8 : i32
        %mul3A_511 = arith.muli %scan3A_467, %mul3A_510 : i32
        %add3A_512 = arith.constant 1 : i32
        %add3A_513 = arith.addi %mul3A_511, %add3A_512 : i32
        %broadcast_in_dim3A_514 = vector.broadcast %add3A_513 : i32 to vector<16xi32>
        %gather3A_515 = tpu.vector_load_idx %arg11[%broadcast_in_dim3A_446, %broadcast_in_dim3A_514] : memref<160x128xf32, #tpu.memory_space<vmem>>[vector<16xi32>, vector<16xi32>], vector<16xf32>,
        %get3A_516 = arith.index_cast %rem3A_141 : i32 to index
        %get3A_517 = arith.index_cast %add3A_513 : i32 to index
        %get3A_518 = arith.constant 0 : index
        %get3A_519 = tpu.vector_load %arg14[%get3A_516, %get3A_517, %get3A_518] {strides = array<i32>} : memref<3x128x64xf32, #tpu.memory_space<vmem>>, vector<16xf32>,
        %mul3A_520 = arith.mulf %get3A_519, %gather3A_515 : vector<16xf32>
        %swap3A_521 = arith.index_cast %rem3A_141 : i32 to index
        %swap3A_522 = arith.index_cast %add3A_513 : i32 to index
        %swap3A_523 = arith.constant 0 : index
        %swap3A_524 = tpu.vector_load %arg14[%swap3A_521, %swap3A_522, %swap3A_523] {strides = array<i32>} : memref<3x128x64xf32, #tpu.memory_space<vmem>>, vector<16xf32>,
        tpu.vector_store %arg14[%swap3A_521, %swap3A_522, %swap3A_523], %mul3A_520 {strides = array<i32>} : memref<3x128x64xf32, #tpu.memory_space<vmem>>, vector<16xf32>,
        %get3A_525 = arith.index_cast %rem3A_141 : i32 to index
        %get3A_526 = arith.index_cast %add3A_513 : i32 to index
        %get3A_527 = arith.constant 16 : index
        %get3A_528 = tpu.vector_load %arg14[%get3A_525, %get3A_526, %get3A_527] {strides = array<i32>} : memref<3x128x64xf32, #tpu.memory_space<vmem>>, vector<16xf32>,
        %mul3A_529 = arith.mulf %get3A_528, %gather3A_515 : vector<16xf32>
        %swap3A_530 = arith.index_cast %rem3A_141 : i32 to index
        %swap3A_531 = arith.index_cast %add3A_513 : i32 to index
        %swap3A_532 = arith.constant 16 : index
        %swap3A_533 = tpu.vector_load %arg14[%swap3A_530, %swap3A_531, %swap3A_532] {strides = array<i32>} : memref<3x128x64xf32, #tpu.memory_space<vmem>>, vector<16xf32>,
        tpu.vector_store %arg14[%swap3A_530, %swap3A_531, %swap3A_532], %mul3A_529 {strides = array<i32>} : memref<3x128x64xf32, #tpu.memory_space<vmem>>, vector<16xf32>,
        %get3A_534 = arith.index_cast %rem3A_141 : i32 to index
        %get3A_535 = arith.index_cast %add3A_513 : i32 to index
        %get3A_536 = arith.constant 32 : index
        %get3A_537 = tpu.vector_load %arg14[%get3A_534, %get3A_535, %get3A_536] {strides = array<i32>} : memref<3x128x64xf32, #tpu.memory_space<vmem>>, vector<16xf32>,
        %mul3A_538 = arith.mulf %get3A_537, %gather3A_515 : vector<16xf32>
        %swap3A_539 = arith.index_cast %rem3A_141 : i32 to index
        %swap3A_540 = arith.index_cast %add3A_513 : i32 to index
        %swap3A_541 = arith.constant 32 : index
        %swap3A_542 = tpu.vector_load %arg14[%swap3A_539, %swap3A_540, %swap3A_541] {strides = array<i32>} : memref<3x128x64xf32, #tpu.memory_space<vmem>>, vector<16xf32>,
        tpu.vector_store %arg14[%swap3A_539, %swap3A_540, %swap3A_541], %mul3A_538 {strides = array<i32>} : memref<3x128x64xf32, #tpu.memory_space<vmem>>, vector<16xf32>,
        %get3A_543 = arith.index_cast %rem3A_141 : i32 to index
        %get3A_544 = arith.index_cast %add3A_513 : i32 to index
        %get3A_545 = arith.constant 48 : index
        %get3A_546 = tpu.vector_load %arg14[%get3A_543, %get3A_544, %get3A_545] {strides = array<i32>} : memref<3x128x64xf32, #tpu.memory_space<vmem>>, vector<16xf32>,
        %mul3A_547 = arith.mulf %get3A_546, %gather3A_515 : vector<16xf32>
        %swap3A_548 = arith.index_cast %rem3A_141 : i32 to index
        %swap3A_549 = arith.index_cast %add3A_513 : i32 to index
        %swap3A_550 = arith.constant 48 : index
        %swap3A_551 = tpu.vector_load %arg14[%swap3A_548, %swap3A_549, %swap3A_550] {strides = array<i32>} : memref<3x128x64xf32, #tpu.memory_space<vmem>>, vector<16xf32>,
        tpu.vector_store %arg14[%swap3A_548, %swap3A_549, %swap3A_550], %mul3A_547 {strides = array<i32>} : memref<3x128x64xf32, #tpu.memory_space<vmem>>, vector<16xf32>,
        %mul3A_552 = arith.constant 8 : i32
        %mul3A_553 = arith.muli %scan3A_467, %mul3A_552 : i32
        %add3A_554 = arith.constant 2 : i32
        %add3A_555 = arith.addi %mul3A_553, %add3A_554 : i32
        %broadcast_in_dim3A_556 = vector.broadcast %add3A_555 : i32 to vector<16xi32>
        %gather3A_557 = tpu.vector_load_idx %arg11[%broadcast_in_dim3A_446, %broadcast_in_dim3A_556] : memref<160x128xf32, #tpu.memory_space<vmem>>[vector<16xi32>, vector<16xi32>], vector<16xf32>,
        %get3A_558 = arith.index_cast %rem3A_141 : i32 to index
        %get3A_559 = arith.index_cast %add3A_555 : i32 to index
        %get3A_560 = arith.constant 0 : index
        %get3A_561 = tpu.vector_load %arg14[%get3A_558, %get3A_559, %get3A_560] {strides = array<i32>} : memref<3x128x64xf32, #tpu.memory_space<vmem>>, vector<16xf32>,
        %mul3A_562 = arith.mulf %get3A_561, %gather3A_557 : vector<16xf32>
        %swap3A_563 = arith.index_cast %rem3A_141 : i32 to index
        %swap3A_564 = arith.index_cast %add3A_555 : i32 to index
        %swap3A_565 = arith.constant 0 : index
        %swap3A_566 = tpu.vector_load %arg14[%swap3A_563, %swap3A_564, %swap3A_565] {strides = array<i32>} : memref<3x128x64xf32, #tpu.memory_space<vmem>>, vector<16xf32>,
        tpu.vector_store %arg14[%swap3A_563, %swap3A_564, %swap3A_565], %mul3A_562 {strides = array<i32>} : memref<3x128x64xf32, #tpu.memory_space<vmem>>, vector<16xf32>,
        %get3A_567 = arith.index_cast %rem3A_141 : i32 to index
        %get3A_568 = arith.index_cast %add3A_555 : i32 to index
        %get3A_569 = arith.constant 16 : index
        %get3A_570 = tpu.vector_load %arg14[%get3A_567, %get3A_568, %get3A_569] {strides = array<i32>} : memref<3x128x64xf32, #tpu.memory_space<vmem>>, vector<16xf32>,
        %mul3A_571 = arith.mulf %get3A_570, %gather3A_557 : vector<16xf32>
        %swap3A_572 = arith.index_cast %rem3A_141 : i32 to index
        %swap3A_573 = arith.index_cast %add3A_555 : i32 to index
        %swap3A_574 = arith.constant 16 : index
        %swap3A_575 = tpu.vector_load %arg14[%swap3A_572, %swap3A_573, %swap3A_574] {strides = array<i32>} : memref<3x128x64xf32, #tpu.memory_space<vmem>>, vector<16xf32>,
        tpu.vector_store %arg14[%swap3A_572, %swap3A_573, %swap3A_574], %mul3A_571 {strides = array<i32>} : memref<3x128x64xf32, #tpu.memory_space<vmem>>, vector<16xf32>,
        %get3A_576 = arith.index_cast %rem3A_141 : i32 to index
        %get3A_577 = arith.index_cast %add3A_555 : i32 to index
        %get3A_578 = arith.constant 32 : index
        %get3A_579 = tpu.vector_load %arg14[%get3A_576, %get3A_577, %get3A_578] {strides = array<i32>} : memref<3x128x64xf32, #tpu.memory_space<vmem>>, vector<16xf32>,
        %mul3A_580 = arith.mulf %get3A_579, %gather3A_557 : vector<16xf32>
        %swap3A_581 = arith.index_cast %rem3A_141 : i32 to index
        %swap3A_582 = arith.index_cast %add3A_555 : i32 to index
        %swap3A_583 = arith.constant 32 : index
        %swap3A_584 = tpu.vector_load %arg14[%swap3A_581, %swap3A_582, %swap3A_583] {strides = array<i32>} : memref<3x128x64xf32, #tpu.memory_space<vmem>>, vector<16xf32>,
        tpu.vector_store %arg14[%swap3A_581, %swap3A_582, %swap3A_583], %mul3A_580 {strides = array<i32>} : memref<3x128x64xf32, #tpu.memory_space<vmem>>, vector<16xf32>,
        %get3A_585 = arith.index_cast %rem3A_141 : i32 to index
        %get3A_586 = arith.index_cast %add3A_555 : i32 to index
        %get3A_587 = arith.constant 48 : index
        %get3A_588 = tpu.vector_load %arg14[%get3A_585, %get3A_586, %get3A_587] {strides = array<i32>} : memref<3x128x64xf32, #tpu.memory_space<vmem>>, vector<16xf32>,
        %mul3A_589 = arith.mulf %get3A_588, %gather3A_557 : vector<16xf32>
        %swap3A_590 = arith.index_cast %rem3A_141 : i32 to index
        %swap3A_591 = arith.index_cast %add3A_555 : i32 to index
        %swap3A_592 = arith.constant 48 : index
        %swap3A_593 = tpu.vector_load %arg14[%swap3A_590, %swap3A_591, %swap3A_592] {strides = array<i32>} : memref<3x128x64xf32, #tpu.memory_space<vmem>>, vector<16xf32>,
        tpu.vector_store %arg14[%swap3A_590, %swap3A_591, %swap3A_592], %mul3A_589 {strides = array<i32>} : memref<3x128x64xf32, #tpu.memory_space<vmem>>, vector<16xf32>,
        %mul3A_594 = arith.constant 8 : i32
        %mul3A_595 = arith.muli %scan3A_467, %mul3A_594 : i32
        %add3A_596 = arith.constant 3 : i32
        %add3A_597 = arith.addi %mul3A_595, %add3A_596 : i32
        %broadcast_in_dim3A_598 = vector.broadcast %add3A_597 : i32 to vector<16xi32>
        %gather3A_599 = tpu.vector_load_idx %arg11[%broadcast_in_dim3A_446, %broadcast_in_dim3A_598] : memref<160x128xf32, #tpu.memory_space<vmem>>[vector<16xi32>, vector<16xi32>], vector<16xf32>,
        %get3A_600 = arith.index_cast %rem3A_141 : i32 to index
        %get3A_601 = arith.index_cast %add3A_597 : i32 to index
        %get3A_602 = arith.constant 0 : index
        %get3A_603 = tpu.vector_load %arg14[%get3A_600, %get3A_601, %get3A_602] {strides = array<i32>} : memref<3x128x64xf32, #tpu.memory_space<vmem>>, vector<16xf32>,
        %mul3A_604 = arith.mulf %get3A_603, %gather3A_599 : vector<16xf32>
        %swap3A_605 = arith.index_cast %rem3A_141 : i32 to index
        %swap3A_606 = arith.index_cast %add3A_597 : i32 to index
        %swap3A_607 = arith.constant 0 : index
        %swap3A_608 = tpu.vector_load %arg14[%swap3A_605, %swap3A_606, %swap3A_607] {strides = array<i32>} : memref<3x128x64xf32, #tpu.memory_space<vmem>>, vector<16xf32>,
        tpu.vector_store %arg14[%swap3A_605, %swap3A_606, %swap3A_607], %mul3A_604 {strides = array<i32>} : memref<3x128x64xf32, #tpu.memory_space<vmem>>, vector<16xf32>,
        %get3A_609 = arith.index_cast %rem3A_141 : i32 to index
        %get3A_610 = arith.index_cast %add3A_597 : i32 to index
        %get3A_611 = arith.constant 16 : index
        %get3A_612 = tpu.vector_load %arg14[%get3A_609, %get3A_610, %get3A_611] {strides = array<i32>} : memref<3x128x64xf32, #tpu.memory_space<vmem>>, vector<16xf32>,
        %mul3A_613 = arith.mulf %get3A_612, %gather3A_599 : vector<16xf32>
        %swap3A_614 = arith.index_cast %rem3A_141 : i32 to index
        %swap3A_615 = arith.index_cast %add3A_597 : i32 to index
        %swap3A_616 = arith.constant 16 : index
        %swap3A_617 = tpu.vector_load %arg14[%swap3A_614, %swap3A_615, %swap3A_616] {strides = array<i32>} : memref<3x128x64xf32, #tpu.memory_space<vmem>>, vector<16xf32>,
        tpu.vector_store %arg14[%swap3A_614, %swap3A_615, %swap3A_616], %mul3A_613 {strides = array<i32>} : memref<3x128x64xf32, #tpu.memory_space<vmem>>, vector<16xf32>,
        %get3A_618 = arith.index_cast %rem3A_141 : i32 to index
        %get3A_619 = arith.index_cast %add3A_597 : i32 to index
        %get3A_620 = arith.constant 32 : index
        %get3A_621 = tpu.vector_load %arg14[%get3A_618, %get3A_619, %get3A_620] {strides = array<i32>} : memref<3x128x64xf32, #tpu.memory_space<vmem>>, vector<16xf32>,
        %mul3A_622 = arith.mulf %get3A_621, %gather3A_599 : vector<16xf32>
        %swap3A_623 = arith.index_cast %rem3A_141 : i32 to index
        %swap3A_624 = arith.index_cast %add3A_597 : i32 to index
        %swap3A_625 = arith.constant 32 : index
        %swap3A_626 = tpu.vector_load %arg14[%swap3A_623, %swap3A_624, %swap3A_625] {strides = array<i32>} : memref<3x128x64xf32, #tpu.memory_space<vmem>>, vector<16xf32>,
        tpu.vector_store %arg14[%swap3A_623, %swap3A_624, %swap3A_625], %mul3A_622 {strides = array<i32>} : memref<3x128x64xf32, #tpu.memory_space<vmem>>, vector<16xf32>,
        %get3A_627 = arith.index_cast %rem3A_141 : i32 to index
        %get3A_628 = arith.index_cast %add3A_597 : i32 to index
        %get3A_629 = arith.constant 48 : index
        %get3A_630 = tpu.vector_load %arg14[%get3A_627, %get3A_628, %get3A_629] {strides = array<i32>} : memref<3x128x64xf32, #tpu.memory_space<vmem>>, vector<16xf32>,
        %mul3A_631 = arith.mulf %get3A_630, %gather3A_599 : vector<16xf32>
        %swap3A_632 = arith.index_cast %rem3A_141 : i32 to index
        %swap3A_633 = arith.index_cast %add3A_597 : i32 to index
        %swap3A_634 = arith.constant 48 : index
        %swap3A_635 = tpu.vector_load %arg14[%swap3A_632, %swap3A_633, %swap3A_634] {strides = array<i32>} : memref<3x128x64xf32, #tpu.memory_space<vmem>>, vector<16xf32>,
        tpu.vector_store %arg14[%swap3A_632, %swap3A_633, %swap3A_634], %mul3A_631 {strides = array<i32>} : memref<3x128x64xf32, #tpu.memory_space<vmem>>, vector<16xf32>,
        %mul3A_636 = arith.constant 8 : i32
        %mul3A_637 = arith.muli %scan3A_467, %mul3A_636 : i32
        %add3A_638 = arith.constant 4 : i32
        %add3A_639 = arith.addi %mul3A_637, %add3A_638 : i32
        %broadcast_in_dim3A_640 = vector.broadcast %add3A_639 : i32 to vector<16xi32>
        %gather3A_641 = tpu.vector_load_idx %arg11[%broadcast_in_dim3A_446, %broadcast_in_dim3A_640] : memref<160x128xf32, #tpu.memory_space<vmem>>[vector<16xi32>, vector<16xi32>], vector<16xf32>,
        %get3A_642 = arith.index_cast %rem3A_141 : i32 to index
        %get3A_643 = arith.index_cast %add3A_639 : i32 to index
        %get3A_644 = arith.constant 0 : index
        %get3A_645 = tpu.vector_load %arg14[%get3A_642, %get3A_643, %get3A_644] {strides = array<i32>} : memref<3x128x64xf32, #tpu.memory_space<vmem>>, vector<16xf32>,
        %mul3A_646 = arith.mulf %get3A_645, %gather3A_641 : vector<16xf32>
        %swap3A_647 = arith.index_cast %rem3A_141 : i32 to index
        %swap3A_648 = arith.index_cast %add3A_639 : i32 to index
        %swap3A_649 = arith.constant 0 : index
        %swap3A_650 = tpu.vector_load %arg14[%swap3A_647, %swap3A_648, %swap3A_649] {strides = array<i32>} : memref<3x128x64xf32, #tpu.memory_space<vmem>>, vector<16xf32>,
        tpu.vector_store %arg14[%swap3A_647, %swap3A_648, %swap3A_649], %mul3A_646 {strides = array<i32>} : memref<3x128x64xf32, #tpu.memory_space<vmem>>, vector<16xf32>,
        %get3A_651 = arith.index_cast %rem3A_141 : i32 to index
        %get3A_652 = arith.index_cast %add3A_639 : i32 to index
        %get3A_653 = arith.constant 16 : index
        %get3A_654 = tpu.vector_load %arg14[%get3A_651, %get3A_652, %get3A_653] {strides = array<i32>} : memref<3x128x64xf32, #tpu.memory_space<vmem>>, vector<16xf32>,
        %mul3A_655 = arith.mulf %get3A_654, %gather3A_641 : vector<16xf32>
        %swap3A_656 = arith.index_cast %rem3A_141 : i32 to index
        %swap3A_657 = arith.index_cast %add3A_639 : i32 to index
        %swap3A_658 = arith.constant 16 : index
        %swap3A_659 = tpu.vector_load %arg14[%swap3A_656, %swap3A_657, %swap3A_658] {strides = array<i32>} : memref<3x128x64xf32, #tpu.memory_space<vmem>>, vector<16xf32>,
        tpu.vector_store %arg14[%swap3A_656, %swap3A_657, %swap3A_658], %mul3A_655 {strides = array<i32>} : memref<3x128x64xf32, #tpu.memory_space<vmem>>, vector<16xf32>,
        %get3A_660 = arith.index_cast %rem3A_141 : i32 to index
        %get3A_661 = arith.index_cast %add3A_639 : i32 to index
        %get3A_662 = arith.constant 32 : index
        %get3A_663 = tpu.vector_load %arg14[%get3A_660, %get3A_661, %get3A_662] {strides = array<i32>} : memref<3x128x64xf32, #tpu.memory_space<vmem>>, vector<16xf32>,
        %mul3A_664 = arith.mulf %get3A_663, %gather3A_641 : vector<16xf32>
        %swap3A_665 = arith.index_cast %rem3A_141 : i32 to index
        %swap3A_666 = arith.index_cast %add3A_639 : i32 to index
        %swap3A_667 = arith.constant 32 : index
        %swap3A_668 = tpu.vector_load %arg14[%swap3A_665, %swap3A_666, %swap3A_667] {strides = array<i32>} : memref<3x128x64xf32, #tpu.memory_space<vmem>>, vector<16xf32>,
        tpu.vector_store %arg14[%swap3A_665, %swap3A_666, %swap3A_667], %mul3A_664 {strides = array<i32>} : memref<3x128x64xf32, #tpu.memory_space<vmem>>, vector<16xf32>,
        %get3A_669 = arith.index_cast %rem3A_141 : i32 to index
        %get3A_670 = arith.index_cast %add3A_639 : i32 to index
        %get3A_671 = arith.constant 48 : index
        %get3A_672 = tpu.vector_load %arg14[%get3A_669, %get3A_670, %get3A_671] {strides = array<i32>} : memref<3x128x64xf32, #tpu.memory_space<vmem>>, vector<16xf32>,
        %mul3A_673 = arith.mulf %get3A_672, %gather3A_641 : vector<16xf32>
        %swap3A_674 = arith.index_cast %rem3A_141 : i32 to index
        %swap3A_675 = arith.index_cast %add3A_639 : i32 to index
        %swap3A_676 = arith.constant 48 : index
        %swap3A_677 = tpu.vector_load %arg14[%swap3A_674, %swap3A_675, %swap3A_676] {strides = array<i32>} : memref<3x128x64xf32, #tpu.memory_space<vmem>>, vector<16xf32>,
        tpu.vector_store %arg14[%swap3A_674, %swap3A_675, %swap3A_676], %mul3A_673 {strides = array<i32>} : memref<3x128x64xf32, #tpu.memory_space<vmem>>, vector<16xf32>,
        %mul3A_678 = arith.constant 8 : i32
        %mul3A_679 = arith.muli %scan3A_467, %mul3A_678 : i32
        %add3A_680 = arith.constant 5 : i32
        %add3A_681 = arith.addi %mul3A_679, %add3A_680 : i32
        %broadcast_in_dim3A_682 = vector.broadcast %add3A_681 : i32 to vector<16xi32>
        %gather3A_683 = tpu.vector_load_idx %arg11[%broadcast_in_dim3A_446, %broadcast_in_dim3A_682] : memref<160x128xf32, #tpu.memory_space<vmem>>[vector<16xi32>, vector<16xi32>], vector<16xf32>,
        %get3A_684 = arith.index_cast %rem3A_141 : i32 to index
        %get3A_685 = arith.index_cast %add3A_681 : i32 to index
        %get3A_686 = arith.constant 0 : index
        %get3A_687 = tpu.vector_load %arg14[%get3A_684, %get3A_685, %get3A_686] {strides = array<i32>} : memref<3x128x64xf32, #tpu.memory_space<vmem>>, vector<16xf32>,
        %mul3A_688 = arith.mulf %get3A_687, %gather3A_683 : vector<16xf32>
        %swap3A_689 = arith.index_cast %rem3A_141 : i32 to index
        %swap3A_690 = arith.index_cast %add3A_681 : i32 to index
        %swap3A_691 = arith.constant 0 : index
        %swap3A_692 = tpu.vector_load %arg14[%swap3A_689, %swap3A_690, %swap3A_691] {strides = array<i32>} : memref<3x128x64xf32, #tpu.memory_space<vmem>>, vector<16xf32>,
        tpu.vector_store %arg14[%swap3A_689, %swap3A_690, %swap3A_691], %mul3A_688 {strides = array<i32>} : memref<3x128x64xf32, #tpu.memory_space<vmem>>, vector<16xf32>,
        %get3A_693 = arith.index_cast %rem3A_141 : i32 to index
        %get3A_694 = arith.index_cast %add3A_681 : i32 to index
        %get3A_695 = arith.constant 16 : index
        %get3A_696 = tpu.vector_load %arg14[%get3A_693, %get3A_694, %get3A_695] {strides = array<i32>} : memref<3x128x64xf32, #tpu.memory_space<vmem>>, vector<16xf32>,
        %mul3A_697 = arith.mulf %get3A_696, %gather3A_683 : vector<16xf32>
        %swap3A_698 = arith.index_cast %rem3A_141 : i32 to index
        %swap3A_699 = arith.index_cast %add3A_681 : i32 to index
        %swap3A_700 = arith.constant 16 : index
        %swap3A_701 = tpu.vector_load %arg14[%swap3A_698, %swap3A_699, %swap3A_700] {strides = array<i32>} : memref<3x128x64xf32, #tpu.memory_space<vmem>>, vector<16xf32>,
        tpu.vector_store %arg14[%swap3A_698, %swap3A_699, %swap3A_700], %mul3A_697 {strides = array<i32>} : memref<3x128x64xf32, #tpu.memory_space<vmem>>, vector<16xf32>,
        %get3A_702 = arith.index_cast %rem3A_141 : i32 to index
        %get3A_703 = arith.index_cast %add3A_681 : i32 to index
        %get3A_704 = arith.constant 32 : index
        %get3A_705 = tpu.vector_load %arg14[%get3A_702, %get3A_703, %get3A_704] {strides = array<i32>} : memref<3x128x64xf32, #tpu.memory_space<vmem>>, vector<16xf32>,
        %mul3A_706 = arith.mulf %get3A_705, %gather3A_683 : vector<16xf32>
        %swap3A_707 = arith.index_cast %rem3A_141 : i32 to index
        %swap3A_708 = arith.index_cast %add3A_681 : i32 to index
        %swap3A_709 = arith.constant 32 : index
        %swap3A_710 = tpu.vector_load %arg14[%swap3A_707, %swap3A_708, %swap3A_709] {strides = array<i32>} : memref<3x128x64xf32, #tpu.memory_space<vmem>>, vector<16xf32>,
        tpu.vector_store %arg14[%swap3A_707, %swap3A_708, %swap3A_709], %mul3A_706 {strides = array<i32>} : memref<3x128x64xf32, #tpu.memory_space<vmem>>, vector<16xf32>,
        %get3A_711 = arith.index_cast %rem3A_141 : i32 to index
        %get3A_712 = arith.index_cast %add3A_681 : i32 to index
        %get3A_713 = arith.constant 48 : index
        %get3A_714 = tpu.vector_load %arg14[%get3A_711, %get3A_712, %get3A_713] {strides = array<i32>} : memref<3x128x64xf32, #tpu.memory_space<vmem>>, vector<16xf32>,
        %mul3A_715 = arith.mulf %get3A_714, %gather3A_683 : vector<16xf32>
        %swap3A_716 = arith.index_cast %rem3A_141 : i32 to index
        %swap3A_717 = arith.index_cast %add3A_681 : i32 to index
        %swap3A_718 = arith.constant 48 : index
        %swap3A_719 = tpu.vector_load %arg14[%swap3A_716, %swap3A_717, %swap3A_718] {strides = array<i32>} : memref<3x128x64xf32, #tpu.memory_space<vmem>>, vector<16xf32>,
        tpu.vector_store %arg14[%swap3A_716, %swap3A_717, %swap3A_718], %mul3A_715 {strides = array<i32>} : memref<3x128x64xf32, #tpu.memory_space<vmem>>, vector<16xf32>,
        %mul3A_720 = arith.constant 8 : i32
        %mul3A_721 = arith.muli %scan3A_467, %mul3A_720 : i32
        %add3A_722 = arith.constant 6 : i32
        %add3A_723 = arith.addi %mul3A_721, %add3A_722 : i32
        %broadcast_in_dim3A_724 = vector.broadcast %add3A_723 : i32 to vector<16xi32>
        %gather3A_725 = tpu.vector_load_idx %arg11[%broadcast_in_dim3A_446, %broadcast_in_dim3A_724] : memref<160x128xf32, #tpu.memory_space<vmem>>[vector<16xi32>, vector<16xi32>], vector<16xf32>,
        %get3A_726 = arith.index_cast %rem3A_141 : i32 to index
        %get3A_727 = arith.index_cast %add3A_723 : i32 to index
        %get3A_728 = arith.constant 0 : index
        %get3A_729 = tpu.vector_load %arg14[%get3A_726, %get3A_727, %get3A_728] {strides = array<i32>} : memref<3x128x64xf32, #tpu.memory_space<vmem>>, vector<16xf32>,
        %mul3A_730 = arith.mulf %get3A_729, %gather3A_725 : vector<16xf32>
        %swap3A_731 = arith.index_cast %rem3A_141 : i32 to index
        %swap3A_732 = arith.index_cast %add3A_723 : i32 to index
        %swap3A_733 = arith.constant 0 : index
        %swap3A_734 = tpu.vector_load %arg14[%swap3A_731, %swap3A_732, %swap3A_733] {strides = array<i32>} : memref<3x128x64xf32, #tpu.memory_space<vmem>>, vector<16xf32>,
        tpu.vector_store %arg14[%swap3A_731, %swap3A_732, %swap3A_733], %mul3A_730 {strides = array<i32>} : memref<3x128x64xf32, #tpu.memory_space<vmem>>, vector<16xf32>,
        %get3A_735 = arith.index_cast %rem3A_141 : i32 to index
        %get3A_736 = arith.index_cast %add3A_723 : i32 to index
        %get3A_737 = arith.constant 16 : index
        %get3A_738 = tpu.vector_load %arg14[%get3A_735, %get3A_736, %get3A_737] {strides = array<i32>} : memref<3x128x64xf32, #tpu.memory_space<vmem>>, vector<16xf32>,
        %mul3A_739 = arith.mulf %get3A_738, %gather3A_725 : vector<16xf32>
        %swap3A_740 = arith.index_cast %rem3A_141 : i32 to index
        %swap3A_741 = arith.index_cast %add3A_723 : i32 to index
        %swap3A_742 = arith.constant 16 : index
        %swap3A_743 = tpu.vector_load %arg14[%swap3A_740, %swap3A_741, %swap3A_742] {strides = array<i32>} : memref<3x128x64xf32, #tpu.memory_space<vmem>>, vector<16xf32>,
        tpu.vector_store %arg14[%swap3A_740, %swap3A_741, %swap3A_742], %mul3A_739 {strides = array<i32>} : memref<3x128x64xf32, #tpu.memory_space<vmem>>, vector<16xf32>,
        %get3A_744 = arith.index_cast %rem3A_141 : i32 to index
        %get3A_745 = arith.index_cast %add3A_723 : i32 to index
        %get3A_746 = arith.constant 32 : index
        %get3A_747 = tpu.vector_load %arg14[%get3A_744, %get3A_745, %get3A_746] {strides = array<i32>} : memref<3x128x64xf32, #tpu.memory_space<vmem>>, vector<16xf32>,
        %mul3A_748 = arith.mulf %get3A_747, %gather3A_725 : vector<16xf32>
        %swap3A_749 = arith.index_cast %rem3A_141 : i32 to index
        %swap3A_750 = arith.index_cast %add3A_723 : i32 to index
        %swap3A_751 = arith.constant 32 : index
        %swap3A_752 = tpu.vector_load %arg14[%swap3A_749, %swap3A_750, %swap3A_751] {strides = array<i32>} : memref<3x128x64xf32, #tpu.memory_space<vmem>>, vector<16xf32>,
        tpu.vector_store %arg14[%swap3A_749, %swap3A_750, %swap3A_751], %mul3A_748 {strides = array<i32>} : memref<3x128x64xf32, #tpu.memory_space<vmem>>, vector<16xf32>,
        %get3A_753 = arith.index_cast %rem3A_141 : i32 to index
        %get3A_754 = arith.index_cast %add3A_723 : i32 to index
        %get3A_755 = arith.constant 48 : index
        %get3A_756 = tpu.vector_load %arg14[%get3A_753, %get3A_754, %get3A_755] {strides = array<i32>} : memref<3x128x64xf32, #tpu.memory_space<vmem>>, vector<16xf32>,
        %mul3A_757 = arith.mulf %get3A_756, %gather3A_725 : vector<16xf32>
        %swap3A_758 = arith.index_cast %rem3A_141 : i32 to index
        %swap3A_759 = arith.index_cast %add3A_723 : i32 to index
        %swap3A_760 = arith.constant 48 : index
        %swap3A_761 = tpu.vector_load %arg14[%swap3A_758, %swap3A_759, %swap3A_760] {strides = array<i32>} : memref<3x128x64xf32, #tpu.memory_space<vmem>>, vector<16xf32>,
        tpu.vector_store %arg14[%swap3A_758, %swap3A_759, %swap3A_760], %mul3A_757 {strides = array<i32>} : memref<3x128x64xf32, #tpu.memory_space<vmem>>, vector<16xf32>,
        %mul3A_762 = arith.constant 8 : i32
        %mul3A_763 = arith.muli %scan3A_467, %mul3A_762 : i32
        %add3A_764 = arith.constant 7 : i32
        %add3A_765 = arith.addi %mul3A_763, %add3A_764 : i32
        %broadcast_in_dim3A_766 = vector.broadcast %add3A_765 : i32 to vector<16xi32>
        %gather3A_767 = tpu.vector_load_idx %arg11[%broadcast_in_dim3A_446, %broadcast_in_dim3A_766] : memref<160x128xf32, #tpu.memory_space<vmem>>[vector<16xi32>, vector<16xi32>], vector<16xf32>,
        %get3A_768 = arith.index_cast %rem3A_141 : i32 to index
        %get3A_769 = arith.index_cast %add3A_765 : i32 to index
        %get3A_770 = arith.constant 0 : index
        %get3A_771 = tpu.vector_load %arg14[%get3A_768, %get3A_769, %get3A_770] {strides = array<i32>} : memref<3x128x64xf32, #tpu.memory_space<vmem>>, vector<16xf32>,
        %mul3A_772 = arith.mulf %get3A_771, %gather3A_767 : vector<16xf32>
        %swap3A_773 = arith.index_cast %rem3A_141 : i32 to index
        %swap3A_774 = arith.index_cast %add3A_765 : i32 to index
        %swap3A_775 = arith.constant 0 : index
        %swap3A_776 = tpu.vector_load %arg14[%swap3A_773, %swap3A_774, %swap3A_775] {strides = array<i32>} : memref<3x128x64xf32, #tpu.memory_space<vmem>>, vector<16xf32>,
        tpu.vector_store %arg14[%swap3A_773, %swap3A_774, %swap3A_775], %mul3A_772 {strides = array<i32>} : memref<3x128x64xf32, #tpu.memory_space<vmem>>, vector<16xf32>,
        %get3A_777 = arith.index_cast %rem3A_141 : i32 to index
        %get3A_778 = arith.index_cast %add3A_765 : i32 to index
        %get3A_779 = arith.constant 16 : index
        %get3A_780 = tpu.vector_load %arg14[%get3A_777, %get3A_778, %get3A_779] {strides = array<i32>} : memref<3x128x64xf32, #tpu.memory_space<vmem>>, vector<16xf32>,
        %mul3A_781 = arith.mulf %get3A_780, %gather3A_767 : vector<16xf32>
        %swap3A_782 = arith.index_cast %rem3A_141 : i32 to index
        %swap3A_783 = arith.index_cast %add3A_765 : i32 to index
        %swap3A_784 = arith.constant 16 : index
        %swap3A_785 = tpu.vector_load %arg14[%swap3A_782, %swap3A_783, %swap3A_784] {strides = array<i32>} : memref<3x128x64xf32, #tpu.memory_space<vmem>>, vector<16xf32>,
        tpu.vector_store %arg14[%swap3A_782, %swap3A_783, %swap3A_784], %mul3A_781 {strides = array<i32>} : memref<3x128x64xf32, #tpu.memory_space<vmem>>, vector<16xf32>,
        %get3A_786 = arith.index_cast %rem3A_141 : i32 to index
        %get3A_787 = arith.index_cast %add3A_765 : i32 to index
        %get3A_788 = arith.constant 32 : index
        %get3A_789 = tpu.vector_load %arg14[%get3A_786, %get3A_787, %get3A_788] {strides = array<i32>} : memref<3x128x64xf32, #tpu.memory_space<vmem>>, vector<16xf32>,
        %mul3A_790 = arith.mulf %get3A_789, %gather3A_767 : vector<16xf32>
        %swap3A_791 = arith.index_cast %rem3A_141 : i32 to index
        %swap3A_792 = arith.index_cast %add3A_765 : i32 to index
        %swap3A_793 = arith.constant 32 : index
        %swap3A_794 = tpu.vector_load %arg14[%swap3A_791, %swap3A_792, %swap3A_793] {strides = array<i32>} : memref<3x128x64xf32, #tpu.memory_space<vmem>>, vector<16xf32>,
        tpu.vector_store %arg14[%swap3A_791, %swap3A_792, %swap3A_793], %mul3A_790 {strides = array<i32>} : memref<3x128x64xf32, #tpu.memory_space<vmem>>, vector<16xf32>,
        %get3A_795 = arith.index_cast %rem3A_141 : i32 to index
        %get3A_796 = arith.index_cast %add3A_765 : i32 to index
        %get3A_797 = arith.constant 48 : index
        %get3A_798 = tpu.vector_load %arg14[%get3A_795, %get3A_796, %get3A_797] {strides = array<i32>} : memref<3x128x64xf32, #tpu.memory_space<vmem>>, vector<16xf32>,
        %mul3A_799 = arith.mulf %get3A_798, %gather3A_767 : vector<16xf32>
        %swap3A_800 = arith.index_cast %rem3A_141 : i32 to index
        %swap3A_801 = arith.index_cast %add3A_765 : i32 to index
        %swap3A_802 = arith.constant 48 : index
        %swap3A_803 = tpu.vector_load %arg14[%swap3A_800, %swap3A_801, %swap3A_802] {strides = array<i32>} : memref<3x128x64xf32, #tpu.memory_space<vmem>>, vector<16xf32>,
        tpu.vector_store %arg14[%swap3A_800, %swap3A_801, %swap3A_802], %mul3A_799 {strides = array<i32>} : memref<3x128x64xf32, #tpu.memory_space<vmem>>, vector<16xf32>,
        %scan3A_804 = arith.constant 0 : i32
        scf.yield %scan3A_804 : i32
      }
      %scan3A_453 = arith.constant 16 : i32
      %dma_start3A_454 = arith.constant 0 : i32
      %dma_start3A_455 = arith.constant 0 : i32
      %dma_start3A_456 = tpu.memref_slice %arg14[%rem3A_141, %dma_start3A_454, %dma_start3A_455] : memref<3x128x64xf32, #tpu.memory_space<vmem>> -> memref<1x128x64xf32, #tpu.memory_space<vmem>>
      %dma_start3A_457 = tpu.memref_squeeze %dma_start3A_456 : memref<1x128x64xf32, #tpu.memory_space<vmem>> -> memref<128x64xf32, #tpu.memory_space<vmem>>
      %dma_start3A_458 = arith.constant 0 : i32
      %dma_start3A_459 = tpu.memref_slice %arg10[%scan3A_137, %dma_start3A_458] : memref<160x128xi32, #tpu.memory_space<vmem>> -> memref<1x128xi32, #tpu.memory_space<vmem>>
      %dma_start3A_460 = tpu.memref_squeeze %dma_start3A_459 : memref<1x128xi32, #tpu.memory_space<vmem>> -> memref<128xi32, #tpu.memory_space<vmem>>
      %dma_start3A_461 = arith.constant 0 : i32
      %dma_start3A_462 = arith.constant 0 : i32
      %dma_start3A_463 = tpu.memref_slice %arg18[%dma_start3A_461, %dma_start3A_462] : memref<10112x64xf32, #tpu.memory_space<vmem_shared>> -> memref<10112x64xf32, #tpu.memory_space<vmem_shared>>
      %dma_start3A_464 = tpu.memref_slice %arg21[%rem3A_141] : memref<3x!tpu.dma_semaphore, #tpu.memory_space<semaphore_mem>> -> memref<1x!tpu.dma_semaphore, #tpu.memory_space<semaphore_mem>>
      %dma_start3A_465 = tpu.memref_squeeze %dma_start3A_464 : memref<1x!tpu.dma_semaphore, #tpu.memory_space<semaphore_mem>> -> memref<!tpu.dma_semaphore, #tpu.memory_space<semaphore_mem>>
      tpu.enqueue_indirect_dma source(%dma_start3A_457 : memref<128x64xf32, #tpu.memory_space<vmem>>) target(%dma_start3A_463 : memref<10112x64xf32, #tpu.memory_space<vmem_shared>>) offsets(%dma_start3A_460 : memref<128xi32, #tpu.memory_space<vmem>>) semaphore(%dma_start3A_465 : memref<!tpu.dma_semaphore, #tpu.memory_space<semaphore_mem>>) {add = true}
      %scan3A_466 = arith.constant 0 : i32
      scf.yield %scan3A_466 : i32
    }
    %scan3A_82 = arith.constant 160 : i32
    %dma_wait3A = arith.constant 0 : i32
    %dma_wait3A_83 = arith.constant 0 : i32
    %dma_wait3A_84 = arith.constant 0 : i32
    %dma_wait3A_85 = arith.constant 0 : i32
    %dma_wait3A_86 = arith.constant 0 : i32
    %dma_wait3A_87 = tpu.memref_slice %arg14[%dma_wait3A, %dma_wait3A_85, %dma_wait3A_86] : memref<3x128x64xf32, #tpu.memory_space<vmem>> -> memref<1x128x64xf32, #tpu.memory_space<vmem>>
    %dma_wait3A_88 = tpu.memref_squeeze %dma_wait3A_87 : memref<1x128x64xf32, #tpu.memory_space<vmem>> -> memref<128x64xf32, #tpu.memory_space<vmem>>
    %dma_wait3A_89 = arith.constant 0 : i32
    %dma_wait3A_90 = tpu.memref_slice %arg10[%dma_wait3A_83, %dma_wait3A_89] : memref<160x128xi32, #tpu.memory_space<vmem>> -> memref<1x128xi32, #tpu.memory_space<vmem>>
    %dma_wait3A_91 = tpu.memref_squeeze %dma_wait3A_90 : memref<1x128xi32, #tpu.memory_space<vmem>> -> memref<128xi32, #tpu.memory_space<vmem>>
    %dma_wait3A_92 = arith.constant 0 : i32
    %dma_wait3A_93 = arith.constant 0 : i32
    %dma_wait3A_94 = tpu.memref_slice %arg18[%dma_wait3A_92, %dma_wait3A_93] : memref<10112x64xf32, #tpu.memory_space<vmem_shared>> -> memref<10112x64xf32, #tpu.memory_space<vmem_shared>>
    %dma_wait3A_95 = tpu.memref_slice %arg21[%dma_wait3A_84] : memref<3x!tpu.dma_semaphore, #tpu.memory_space<semaphore_mem>> -> memref<1x!tpu.dma_semaphore, #tpu.memory_space<semaphore_mem>>
    %dma_wait3A_96 = tpu.memref_squeeze %dma_wait3A_95 : memref<1x!tpu.dma_semaphore, #tpu.memory_space<semaphore_mem>> -> memref<!tpu.dma_semaphore, #tpu.memory_space<semaphore_mem>>
    tpu.wait_indirect_dma semaphore(%dma_wait3A_96 : memref<!tpu.dma_semaphore, #tpu.memory_space<semaphore_mem>>) src(%dma_wait3A_88 : memref<128x64xf32, #tpu.memory_space<vmem>>) dst(%dma_wait3A_94 : memref<10112x64xf32, #tpu.memory_space<vmem_shared>>)
    %dma_wait3A_97 = arith.constant 1 : i32
    %dma_wait3A_98 = arith.constant 0 : i32
    %dma_wait3A_99 = arith.constant 1 : i32
    %dma_wait3A_100 = arith.constant 0 : i32
    %dma_wait3A_101 = arith.constant 0 : i32
    %dma_wait3A_102 = tpu.memref_slice %arg14[%dma_wait3A_97, %dma_wait3A_100, %dma_wait3A_101] : memref<3x128x64xf32, #tpu.memory_space<vmem>> -> memref<1x128x64xf32, #tpu.memory_space<vmem>>
    %dma_wait3A_103 = tpu.memref_squeeze %dma_wait3A_102 : memref<1x128x64xf32, #tpu.memory_space<vmem>> -> memref<128x64xf32, #tpu.memory_space<vmem>>
    %dma_wait3A_104 = arith.constant 0 : i32
    %dma_wait3A_105 = tpu.memref_slice %arg10[%dma_wait3A_98, %dma_wait3A_104] : memref<160x128xi32, #tpu.memory_space<vmem>> -> memref<1x128xi32, #tpu.memory_space<vmem>>
    %dma_wait3A_106 = tpu.memref_squeeze %dma_wait3A_105 : memref<1x128xi32, #tpu.memory_space<vmem>> -> memref<128xi32, #tpu.memory_space<vmem>>
    %dma_wait3A_107 = arith.constant 0 : i32
    %dma_wait3A_108 = arith.constant 0 : i32
    %dma_wait3A_109 = tpu.memref_slice %arg18[%dma_wait3A_107, %dma_wait3A_108] : memref<10112x64xf32, #tpu.memory_space<vmem_shared>> -> memref<10112x64xf32, #tpu.memory_space<vmem_shared>>
    %dma_wait3A_110 = tpu.memref_slice %arg21[%dma_wait3A_99] : memref<3x!tpu.dma_semaphore, #tpu.memory_space<semaphore_mem>> -> memref<1x!tpu.dma_semaphore, #tpu.memory_space<semaphore_mem>>
    %dma_wait3A_111 = tpu.memref_squeeze %dma_wait3A_110 : memref<1x!tpu.dma_semaphore, #tpu.memory_space<semaphore_mem>> -> memref<!tpu.dma_semaphore, #tpu.memory_space<semaphore_mem>>
    tpu.wait_indirect_dma semaphore(%dma_wait3A_111 : memref<!tpu.dma_semaphore, #tpu.memory_space<semaphore_mem>>) src(%dma_wait3A_103 : memref<128x64xf32, #tpu.memory_space<vmem>>) dst(%dma_wait3A_109 : memref<10112x64xf32, #tpu.memory_space<vmem_shared>>)
    %dma_wait3A_112 = arith.constant 2 : i32
    %dma_wait3A_113 = arith.constant 0 : i32
    %dma_wait3A_114 = arith.constant 2 : i32
    %dma_wait3A_115 = arith.constant 0 : i32
    %dma_wait3A_116 = arith.constant 0 : i32
    %dma_wait3A_117 = tpu.memref_slice %arg14[%dma_wait3A_112, %dma_wait3A_115, %dma_wait3A_116] : memref<3x128x64xf32, #tpu.memory_space<vmem>> -> memref<1x128x64xf32, #tpu.memory_space<vmem>>
    %dma_wait3A_118 = tpu.memref_squeeze %dma_wait3A_117 : memref<1x128x64xf32, #tpu.memory_space<vmem>> -> memref<128x64xf32, #tpu.memory_space<vmem>>
    %dma_wait3A_119 = arith.constant 0 : i32
    %dma_wait3A_120 = tpu.memref_slice %arg10[%dma_wait3A_113, %dma_wait3A_119] : memref<160x128xi32, #tpu.memory_space<vmem>> -> memref<1x128xi32, #tpu.memory_space<vmem>>
    %dma_wait3A_121 = tpu.memref_squeeze %dma_wait3A_120 : memref<1x128xi32, #tpu.memory_space<vmem>> -> memref<128xi32, #tpu.memory_space<vmem>>
    %dma_wait3A_122 = arith.constant 0 : i32
    %dma_wait3A_123 = arith.constant 0 : i32
    %dma_wait3A_124 = tpu.memref_slice %arg18[%dma_wait3A_122, %dma_wait3A_123] : memref<10112x64xf32, #tpu.memory_space<vmem_shared>> -> memref<10112x64xf32, #tpu.memory_space<vmem_shared>>
    %dma_wait3A_125 = tpu.memref_slice %arg21[%dma_wait3A_114] : memref<3x!tpu.dma_semaphore, #tpu.memory_space<semaphore_mem>> -> memref<1x!tpu.dma_semaphore, #tpu.memory_space<semaphore_mem>>
    %dma_wait3A_126 = tpu.memref_squeeze %dma_wait3A_125 : memref<1x!tpu.dma_semaphore, #tpu.memory_space<semaphore_mem>> -> memref<!tpu.dma_semaphore, #tpu.memory_space<semaphore_mem>>
    tpu.wait_indirect_dma semaphore(%dma_wait3A_126 : memref<!tpu.dma_semaphore, #tpu.memory_space<semaphore_mem>>) src(%dma_wait3A_118 : memref<128x64xf32, #tpu.memory_space<vmem>>) dst(%dma_wait3A_124 : memref<10112x64xf32, #tpu.memory_space<vmem_shared>>)
    %scan3A_127 = arith.constant 0 : i32
    %scan3A_128 = arith.constant 0 : i32
    %scan3A_129 = arith.constant 160 : i32
    %scan3A_130 = arith.addi %scan3A_128, %scan3A_129 : i32
    %scan3A_131 = arith.constant 1 : i32
    %scan3A_132 = scf.for %scan3A_137 = %scan3A_128 to %scan3A_130 step %scan3A_131 iter_args(%scan3A_138 = %scan3A_127) -> (i32)  : i32 {
      %dma_wait3A_139 = arith.constant 0 : i32
      %dma_wait3A_140 = arith.constant 0 : i32
      %dma_wait3A_141 = arith.constant 0 : i32
      %dma_wait3A_142 = tpu.memref_slice %arg11[%dma_wait3A_139, %dma_wait3A_141] : memref<160x128xf32, #tpu.memory_space<vmem>> -> memref<1x128xf32, #tpu.memory_space<vmem>>
      %dma_wait3A_143 = tpu.memref_squeeze %dma_wait3A_142 : memref<1x128xf32, #tpu.memory_space<vmem>> -> memref<128xf32, #tpu.memory_space<vmem>>
      %dma_wait3A_144 = arith.constant 0 : i32
      %dma_wait3A_145 = tpu.memref_slice %arg10[%dma_wait3A_140, %dma_wait3A_144] : memref<160x128xi32, #tpu.memory_space<vmem>> -> memref<1x128xi32, #tpu.memory_space<vmem>>
      %dma_wait3A_146 = tpu.memref_squeeze %dma_wait3A_145 : memref<1x128xi32, #tpu.memory_space<vmem>> -> memref<128xi32, #tpu.memory_space<vmem>>
      %dma_wait3A_147 = arith.constant 0 : i32
      %dma_wait3A_148 = tpu.memref_slice %arg19[%dma_wait3A_147] : memref<16384xf32, #tpu.memory_space<vmem_shared>> -> memref<16384xf32, #tpu.memory_space<vmem_shared>>
      tpu.wait_indirect_dma semaphore(%arg24 : memref<!tpu.dma_semaphore, #tpu.memory_space<semaphore_mem>>) src(%dma_wait3A_143 : memref<128xf32, #tpu.memory_space<vmem>>) dst(%dma_wait3A_148 : memref<16384xf32, #tpu.memory_space<vmem_shared>>)
      %scan3A_149 = arith.constant 0 : i32
      scf.yield %scan3A_149 : i32
    }
    %scan3A_133 = arith.constant 160 : i32
    %barrier3A_134 = arith.constant 0 : index
    tpu.barrier barrier_id(%barrier3A_134)
    "tpu.region"() ({
      %run_scoped3A_137 = tpu.sem_alloc : memref<!tpu.dma_semaphore, #tpu.memory_space<semaphore_mem>>
      %dma_start3A_138 = arith.constant 0 : i32
      %dma_start3A_139 = tpu.memref_slice %arg7[%arg0, %mul3A_16, %dma_start3A_138] : memref<2x10112x64xf32, #tpu.memory_space<hbm>> -> memref<1x632x64xf32, #tpu.memory_space<hbm>>
      %dma_start3A_140 = tpu.memref_squeeze %dma_start3A_139 : memref<1x632x64xf32, #tpu.memory_space<hbm>> -> memref<632x64xf32, #tpu.memory_space<hbm>>
      %dma_start3A_141 = arith.constant 0 : i32
      %dma_start3A_142 = tpu.memref_slice %arg18[%mul3A_16, %dma_start3A_141] : memref<10112x64xf32, #tpu.memory_space<vmem_shared>> -> memref<632x64xf32, #tpu.memory_space<vmem_shared>>
      tpu.enqueue_dma source(%dma_start3A_142 : memref<632x64xf32, #tpu.memory_space<vmem_shared>>) target(%dma_start3A_140 : memref<632x64xf32, #tpu.memory_space<hbm>>) target_semaphore(%run_scoped3A_137 : memref<!tpu.dma_semaphore, #tpu.memory_space<semaphore_mem>>)
      %dma_wait3A_143 = arith.constant 0 : i32
      %dma_wait3A_144 = tpu.memref_slice %arg7[%arg0, %mul3A_16, %dma_wait3A_143] : memref<2x10112x64xf32, #tpu.memory_space<hbm>> -> memref<1x632x64xf32, #tpu.memory_space<hbm>>
      %dma_wait3A_145 = tpu.memref_squeeze %dma_wait3A_144 : memref<1x632x64xf32, #tpu.memory_space<hbm>> -> memref<632x64xf32, #tpu.memory_space<hbm>>
      %dma_wait3A_146 = arith.constant 0 : i32
      %dma_wait3A_147 = tpu.memref_slice %arg18[%mul3A_16, %dma_wait3A_146] : memref<10112x64xf32, #tpu.memory_space<vmem_shared>> -> memref<632x64xf32, #tpu.memory_space<vmem_shared>>
      tpu.wait_dma2 semaphore(%run_scoped3A_137 : memref<!tpu.dma_semaphore, #tpu.memory_space<semaphore_mem>>) src(%dma_wait3A_147 : memref<632x64xf32, #tpu.memory_space<vmem_shared>>) dst(%dma_wait3A_145 : memref<632x64xf32, #tpu.memory_space<hbm>>)
      tpu.yield
    }) : () -> ()
    %eq3A = arith.constant 0 : i32
    %eq3A_135 = arith.cmpi eq, %arg0, %eq3A : i32
    %convert_element_type3A = arith.extui %eq3A_135 : i1 to i32
    %cond3A = arith.constant 0 : i32
    %cond3A_136 = arith.cmpi ne, %convert_element_type3A, %cond3A : i32
    scf.if %cond3A_136 {
      %mul3A_137 = arith.constant 1024 : i32
      %mul3A_138 = arith.muli %arg1, %mul3A_137 : i32
      %mul3A_139 = arith.constant 1024 : i32
      %mul3A_140 = arith.muli %arg1, %mul3A_139 : i32
      "tpu.region"() ({
        %run_scoped3A_141 = tpu.sem_alloc : memref<!tpu.dma_semaphore, #tpu.memory_space<semaphore_mem>>
        %dma_start3A_142 = tpu.memref_slice %arg8[%mul3A_140] : memref<16384xf32, #tpu.memory_space<hbm>> -> memref<1024xf32, #tpu.memory_space<hbm>>
        %dma_start3A_143 = tpu.memref_slice %arg19[%mul3A_138] : memref<16384xf32, #tpu.memory_space<vmem_shared>> -> memref<1024xf32, #tpu.memory_space<vmem_shared>>
        tpu.enqueue_dma source(%dma_start3A_143 : memref<1024xf32, #tpu.memory_space<vmem_shared>>) target(%dma_start3A_142 : memref<1024xf32, #tpu.memory_space<hbm>>) target_semaphore(%run_scoped3A_141 : memref<!tpu.dma_semaphore, #tpu.memory_space<semaphore_mem>>)
        %dma_wait3A_144 = tpu.memref_slice %arg8[%mul3A_140] : memref<16384xf32, #tpu.memory_space<hbm>> -> memref<1024xf32, #tpu.memory_space<hbm>>
        %dma_wait3A_145 = tpu.memref_slice %arg19[%mul3A_138] : memref<16384xf32, #tpu.memory_space<vmem_shared>> -> memref<1024xf32, #tpu.memory_space<vmem_shared>>
        tpu.wait_dma2 semaphore(%run_scoped3A_141 : memref<!tpu.dma_semaphore, #tpu.memory_space<semaphore_mem>>) src(%dma_wait3A_145 : memref<1024xf32, #tpu.memory_space<vmem_shared>>) dst(%dma_wait3A_144 : memref<1024xf32, #tpu.memory_space<hbm>>)
        tpu.yield
      }) : () -> ()
    } else {
    }
    return
  }
}

module attributes {stable_mosaic.version = 14 : i64} {
  func.func @_tc_prep(%arg0: memref<10000x128xf32, #tpu.memory_space<vmem>>, %arg1: memref<128x128xf32, #tpu.memory_space<vmem>>, %arg2: memref<2x128xf32, #tpu.memory_space<vmem>>, %arg3: memref<2x10000x64xf32, #tpu.memory_space<vmem>>, %arg4: memref<2x10000xf32, #tpu.memory_space<vmem>>) attributes {dimension_semantics = [], scalar_prefetch = 0 : i64, scratch_operands = 0 : i64, tpu.core_type = #tpu.core_type<tc>} {
    %get3A = arith.constant 0 : index
    %get3A_0 = arith.constant 0 : index
    %get3A_1 = vector.load %arg0[%get3A, %get3A_0] : memref<10000x128xf32, #tpu.memory_space<vmem>>, vector<10000x128xf32>
    %get3A_2 = arith.constant 0 : index
    %get3A_3 = arith.constant 0 : index
    %get3A_4 = vector.load %arg1[%get3A_2, %get3A_3] : memref<128x128xf32, #tpu.memory_space<vmem>>, vector<128x128xf32>
    %dot_general3A = arith.constant dense<0.000000e+00> : vector<10000x128xf32>
    %dot_general3A_5 = tpu.matmul %get3A_1, %get3A_4, %dot_general3A {dimension_numbers = #tpu.dot_dimension_numbers<[1], [1], [0], [0], [0, 0, 1, 0], [], []>, transpose_lhs_hint = false} : vector<10000x128xf32>, vector<128x128xf32>, vector<10000x128xf32> -> vector<10000x128xf32>
    %reshape3A = vector.shape_cast %dot_general3A_5 : vector<10000x128xf32> to vector<10000x2x64xf32>
    %transpose3A = tpu.transpose %reshape3A, [1, 0, 2] : vector<10000x2x64xf32> -> vector<2x10000x64xf32>
    %swap3A = arith.constant 0 : index
    %swap3A_6 = arith.constant 0 : index
    %swap3A_7 = arith.constant 0 : index
    %swap3A_8 = vector.load %arg3[%swap3A, %swap3A_6, %swap3A_7] : memref<2x10000x64xf32, #tpu.memory_space<vmem>>, vector<2x10000x64xf32>
    tpu.vector_store %arg3[%swap3A, %swap3A_6, %swap3A_7], %transpose3A {strides = array<i32>} : memref<2x10000x64xf32, #tpu.memory_space<vmem>>, vector<2x10000x64xf32>,
    %get3A_9 = arith.constant 0 : index
    %get3A_10 = arith.constant 0 : index
    %get3A_11 = vector.load %arg2[%get3A_9, %get3A_10] : memref<2x128xf32, #tpu.memory_space<vmem>>, vector<2x128xf32>
    %dot_general3A_12 = arith.constant dense<0.000000e+00> : vector<2x10000xf32>
    %dot_general3A_13 = tpu.matmul %get3A_11, %dot_general3A_5, %dot_general3A_12 {dimension_numbers = #tpu.dot_dimension_numbers<[1], [1], [0], [0], [0, 0, 1, 0], [], []>, transpose_lhs_hint = false} : vector<2x128xf32>, vector<10000x128xf32>, vector<2x10000xf32> -> vector<2x10000xf32>
    %swap3A_14 = arith.constant 0 : index
    %swap3A_15 = arith.constant 0 : index
    %swap3A_16 = vector.load %arg4[%swap3A_14, %swap3A_15] : memref<2x10000xf32, #tpu.memory_space<vmem>>, vector<2x10000xf32>
    tpu.vector_store %arg4[%swap3A_14, %swap3A_15], %dot_general3A_13 {strides = array<i32>} : memref<2x10000xf32, #tpu.memory_space<vmem>>, vector<2x10000xf32>,
    return
  }
}

module attributes {stable_mosaic.version = 14 : i64} {
  func.func @_tc_final(%arg0: memref<2x10112x64xf32, #tpu.memory_space<vmem>>, %arg1: memref<10000x1xf32, #tpu.memory_space<vmem>>, %arg2: memref<10000x128xf32, #tpu.memory_space<vmem>>) attributes {dimension_semantics = [], scalar_prefetch = 0 : i64, scratch_operands = 0 : i64, tpu.core_type = #tpu.core_type<tc>} {
    %get3A = arith.constant 0 : index
    %get3A_0 = arith.constant 0 : index
    %get3A_1 = vector.load %arg1[%get3A, %get3A_0] : memref<10000x1xf32, #tpu.memory_space<vmem>>, vector<10000x1xf32>
    %add3A = arith.constant 9.99999997E-7 : f32
    %add3A_2 = vector.broadcast %add3A : f32 to vector<10000x1xf32>
    %add3A_3 = arith.addf %get3A_1, %add3A_2 : vector<10000x1xf32>
    %get3A_4 = arith.constant 0 : index
    %get3A_5 = arith.constant 0 : index
    %get3A_6 = arith.constant 0 : index
    %get3A_7 = vector.load %arg0[%get3A_4, %get3A_5, %get3A_6] : memref<2x10112x64xf32, #tpu.memory_space<vmem>>, vector<1x10000x64xf32>
    %get3A_8 = vector.shape_cast %get3A_7 : vector<1x10000x64xf32> to vector<10000x64xf32>
    %get3A_9 = arith.constant 1 : index
    %get3A_10 = arith.constant 0 : index
    %get3A_11 = arith.constant 0 : index
    %get3A_12 = vector.load %arg0[%get3A_9, %get3A_10, %get3A_11] : memref<2x10112x64xf32, #tpu.memory_space<vmem>>, vector<1x10000x64xf32>
    %get3A_13 = vector.shape_cast %get3A_12 : vector<1x10000x64xf32> to vector<10000x64xf32>
    %concatenate3A = tpu.concatenate %get3A_8, %get3A_13 in 1 : vector<10000x64xf32>, vector<10000x64xf32> -> vector<10000x128xf32>
    %div3A = vector.broadcast %add3A_3 : vector<10000x1xf32> to vector<10000x128xf32>
    %div3A_14 = arith.divf %concatenate3A, %div3A : vector<10000x128xf32>
    %gt3A = arith.constant 0.000000e+00 : f32
    %gt3A_15 = vector.broadcast %gt3A : f32 to vector<10000x128xf32>
    %gt3A_16 = arith.cmpf ogt, %div3A_14, %gt3A_15 : vector<10000x128xf32>
    %min3A = arith.constant 0.000000e+00 : f32
    %min3A_17 = vector.broadcast %min3A : f32 to vector<10000x128xf32>
    %min3A_18 = arith.minimumf %div3A_14, %min3A_17 : vector<10000x128xf32>
    %exp3A = math.exp %min3A_18 : vector<10000x128xf32>
    %sub3A = arith.constant 1.000000e+00 : f32
    %sub3A_19 = vector.broadcast %sub3A : f32 to vector<10000x128xf32>
    %sub3A_20 = arith.subf %exp3A, %sub3A_19 : vector<10000x128xf32>
    %select_n3A = arith.select %gt3A_16, %div3A_14, %sub3A_20 : vector<10000x128xi1>, vector<10000x128xf32>
    %swap3A = arith.constant 0 : index
    %swap3A_21 = arith.constant 0 : index
    %swap3A_22 = vector.load %arg2[%swap3A, %swap3A_21] : memref<10000x128xf32, #tpu.memory_space<vmem>>, vector<10000x128xf32>
    tpu.vector_store %arg2[%swap3A, %swap3A_21], %select_n3A {strides = array<i32>} : memref<10000x128xf32, #tpu.memory_space<vmem>>, vector<10000x128xf32>,
    return
  }
}

</mosaic_0001>

<sc_bundles>
// kernel: kernel.5.cloned.1.call-start
scs
__scs_entry_jumppad:
0x0: {  	(pc) =	sbr.rel $0x88, $3  }
0x1: {  	(tag) =	ssettag $0x0;
	lr =	simm.s32 $0x1  }
0x2: {  	[smem:$0x3F9D] =	sst lr;
	_ =	strace $0xD0000000  }
0x3: {  	_ = 	snop  }
0x4: {  	_ = 	snop  }
0x5: {  	_ = 	snop  }
0x6: {  	_ = 	snop  }
0x7: {  	_ = 	snop  }
__scs_overlays_trampoline_lowered:
0x8: {  	[smem:$0x3FAC] =	sst s0  }
0x9: {  	[smem:$0x3FAD] =	sst s1  }
0xa: {  	[smem:$0x3FAE] =	sst s2  }
0xb: {  	[smem:$0x3FAF] =	sst s3  }
0xc: {  	[smem:$0x3FB0] =	sst s4  }
0xd: {  	[smem:$0x3FB1] =	sst s5  }
0xe: {  	[smem:$0x3FB2] =	sst s6  }
0xf: {  	[smem:$0x3FB3] =	sst s7  }
0x10: {  	[smem:$0x3FB4] =	sst s8  }
0x11: {  	[smem:$0x3FB5] =	sst s9;
	s0 =	simm.s32 @!p0 $0x0  }
0x12: {  	s1 =	sld [smem:$0x3F9B];
	s0 =	simm.s32 @p0 $0x1  }
0x13: {  	[smem:$0x3FB6] =	sst s0;
	s0 =	simm.s32 @!p1 $0x0  }
0x14: {  	s2 =	sld [smem:$0x3F9A];
	s0 =	simm.s32 @p1 $0x1  }
0x15: {  	[smem:$0x3FB7] =	sst s0;
	s0 =	simm.s32 @!p2 $0x0  }
0x16: {  	s3 =	sld [smem:$0x3FDB];
	s0 =	simm.s32 @p2 $0x1  }
0x17: {  	s4 =	simm.s32 $0x1BF5;
	[smem:$0x3FB9] =	sst s0  }
0x18: {  	s0 =	sld [smem:$0x3F9C];
	_ =	swait.ge [sflag:s4], $0x0  }
0x19: {  	s7 =	sld [smem:$0x3F9D]  }
0x1a: {  	s8 =	sadd.s32 $0xFFFFE003, lr  }
0x1b: {  	s9 =	sadd.s32 $0xFFFFFEF7, lr;
	s5 =	simm.s32 $0xFFFFFFFF;
	p2 =	slt.u32 s8, $0xFFFFF086  }
0x1c: {  	p1 =	slt.u32 s9, $0xF7A;
	s5 =	simm.s32 @!p2 $0x0  }
0x1d: {  	s5 =	simm.s32 @p1 $0x1;
	p0 =	seq.s32 s7, s2  }
0x1e: {  	s7 =	smul.u32 @!p0 $0xF7A, s2;
	p2 =	seq.s32 @!p0 s5, $0x0  }
0x1f: {  	s9 =	smul.u32 $0xF7A, s1;
	s8 =	simm.s32 @!p0 $0x1BF5;
	p2 =	por !p2, p0  }
0x20: {  	[sflag:s8] =	ssyncset.s32 @!p0 $0xFFFFF086;
	s6 =	sadd.s32 @!p0 s3, s7;
	s7 =	simm.s32 @!p0 $0x108  }
0x21: {  	s3 =	sadd.s32 s3, s9;
	s6 =	sadd.s32 @!p0 $0x88, s6;
	s7 =	simm.s32 @p2 $0x1082  }
0x22: {  	[simem:s7], [sflag:s8] =	dma.local @!p0 [hbm:s6], $0xF7A  }
0x23: {  	s9 =	sor.u32 $0xD0000000, s2;
	s6 =	simm.s32 $0x108;
	_ =	swait.ge @!p0 [sflag:s8], $0x0  }
0x24: {  	s3 =	sadd.s32 $0x88, s3;
	s6 =	simm.s32 @!p1 $0x1082;
	[sflag:s4] =	ssyncset.s32 $0xFFFFF086  }
0x25: {  	[simem:s6], [sflag:s4] =	dma.local [hbm:s3], $0xF7A  }
0x26: {  	[smem:$0x3F9D] =	sst s1;
	(tag) =	ssettag s2;
	_ =	strace s9  }
0x27: {  	s1 =	sld [smem:$0x3FAD]  }
0x28: {  	s2 =	sld [smem:$0x3FAE]  }
0x29: {  	s4 =	sld [smem:$0x3FB0]  }
0x2a: {  	p0 =	seq.s32 s5, $0x0;
	s5 =	sld [smem:$0x3FB1]  }
0x2b: {  	s6 =	sld [smem:$0x3FB2]  }
0x2c: {  	s7 =	sld [smem:$0x3FB3]  }
0x2d: {  	s3 =	simm.s32 $0x108;
	s8 =	sld [smem:$0x3FB4]  }
0x2e: {  	s3 =	simm.s32 @!p0 $0x1082;
	s9 =	sld [smem:$0x3FB5]  }
0x2f: {  	lr =	sadd.s32 s0, s3;
	s0 =	sld [smem:$0x3FAC]  }
0x30: {  	s3 =	sld [smem:$0x3FAF]  }
0x31: {  	[smem:$0x3FB8] =	sst s10  }
0x32: {  	s10 =	sld [smem:$0x3FB6];
	_ =	sdelay $0x3  }
0x33: {  	p0 =	seq.s32 s10, $0x1;
	s10 =	sld [smem:$0x3FB8];
	_ =	sdelay $0x3  }
0x34: {  	[smem:$0x3FB8] =	sst s10  }
0x35: {  	s10 =	sld [smem:$0x3FB7];
	_ =	sdelay $0x3  }
0x36: {  	p1 =	seq.s32 s10, $0x1;
	s10 =	sld [smem:$0x3FB8];
	_ =	sdelay $0x3  }
0x37: {  	[smem:$0x3FB8] =	sst s10  }
0x38: {  	s10 =	sld [smem:$0x3FB9]  }
0x39: {  	_ = 	snop;
	(pc) =	sbr.ind lr, $3  }
0x3a: {  	_ = 	snop  }
0x3b: {  	_ = 	snop  }
0x3c: {  	p2 =	seq.s32 s10, $0x1;
	s10 =	sld [smem:$0x3FB8]  }
0x3d: {  	_ =	shalt  }
0x3e: {  	_ =	shalt  }
0x3f: {  	_ =	shalt  }
0x40: {  	_ =	shalt  }
0x41: {  	_ =	shalt  }
0x42: {  	_ =	shalt  }
0x43: {  	_ =	shalt  }
0x44: {  	_ =	shalt  }
0x45: {  	_ =	shalt  }
0x46: {  	_ =	shalt  }
0x47: {  	_ =	shalt  }
0x48: {  	_ =	shalt  }
0x49: {  	_ =	shalt  }
0x4a: {  	_ =	shalt  }
0x4b: {  	_ =	shalt  }
0x4c: {  	_ =	shalt  }
0x4d: {  	_ =	shalt  }
0x4e: {  	_ =	shalt  }
0x4f: {  	_ =	shalt  }
0x50: {  	_ =	shalt  }
0x51: {  	_ =	shalt  }
0x52: {  	_ =	shalt  }
0x53: {  	_ =	shalt  }
0x54: {  	_ =	shalt  }
0x55: {  	_ =	shalt  }
0x56: {  	_ =	shalt  }
0x57: {  	_ =	shalt  }
0x58: {  	_ =	shalt  }
0x59: {  	_ =	shalt  }
0x5a: {  	_ =	shalt  }
0x5b: {  	_ =	shalt  }
0x5c: {  	_ =	shalt  }
0x5d: {  	_ =	shalt  }
0x5e: {  	_ =	shalt  }
0x5f: {  	_ =	shalt  }
0x60: {  	_ =	shalt  }
0x61: {  	_ =	shalt  }
0x62: {  	_ =	shalt  }
0x63: {  	_ =	shalt  }
0x64: {  	_ =	shalt  }
0x65: {  	_ =	shalt  }
0x66: {  	_ =	shalt  }
0x67: {  	_ =	shalt  }
0x68: {  	_ =	shalt  }
0x69: {  	_ =	shalt  }
0x6a: {  	_ =	shalt  }
0x6b: {  	_ =	shalt  }
0x6c: {  	_ =	shalt  }
0x6d: {  	_ =	shalt  }
0x6e: {  	_ =	shalt  }
0x6f: {  	_ =	shalt  }
0x70: {  	_ =	shalt  }
0x71: {  	_ =	shalt  }
0x72: {  	_ =	shalt  }
0x73: {  	_ =	shalt  }
0x74: {  	_ =	shalt  }
0x75: {  	_ =	shalt  }
0x76: {  	_ =	shalt  }
0x77: {  	_ =	shalt  }
0x78: {  	_ =	shalt  }
0x79: {  	_ =	shalt  }
0x7a: {  	_ =	shalt  }
0x7b: {  	_ =	shalt  }
0x7c: {  	_ =	shalt  }
0x7d: {  	_ =	shalt  }
0x7e: {  	_ =	shalt  }
0x7f: {  	_ =	shalt  }
0x80: {  	_ =	shalt  }
0x81: {  	_ =	shalt  }
0x82: {  	_ =	shalt  }
0x83: {  	_ =	shalt  }
0x84: {  	_ =	shalt  }
0x85: {  	_ =	shalt  }
0x86: {  	_ =	shalt  }
0x87: {  	_ =	shalt  }
.Lfunc_end0:
.L_simem_size_0:
called_computation_lowered:
.L_overlay_start_0:
0x88: {  	s2 =	sld [smem:$0x3FD9]  }
0x89: {  	s3 =	sld [smem:$0x3FFE];
	_ =	sdelay $0x1  }
0x8a: {  	s1 =	srdreg.scid  }
0x8b: {  	s0 =	sand.u32 $0x1, s1  }
0x8c: {  	s17 =	sshll.u32 s0, $0xA;
	s2 =	sadd.s32 s3, s2  }
0x8d: {  	s2 =	sadd.s32 s2, s17  }
0x8e: {  	[smem:$0x3FC4] =	sst s2  }
0x8f: {  	_ = 	snop  }
0x90: {  	s2 =	sld [smem:$0x3FD0];
	(tm) =	ssettm $0x1  }
0x91: {  	s18 =	sld [smem:$0x3FFB];
	_ =	sdelay $0x3  }
0x92: {  	_ =	strace s18  }
0x93: {  	s3 =	sld [smem:$0x3FFC];
	_ =	sdelay $0x3  }
0x94: {  	_ =	strace s3  }
0x95: {  	s3 =	sld [smem:$0x3FFD];
	_ =	sdelay $0x3  }
0x96: {  	_ =	strace s3  }
0x97: {  	_ =	strace $0x8FFFFFFF  }
0x98: {  	s19 =	sld [smem:$0x3FDB];
	_ =	sdelay $0x1  }
0x99: {  	s4 =	simm.s32 $_scs_section_size  }
0x9a: {  	s5 =	simm.s32 $_size__tile_overlayer_lowered;
	s6 =	simm.s32 $_tile_overlayer_lowered  }
0x9b: {  	s22 =	simm.s32 $0x1BFF;
	s21 =	sshll.u32 s6, $0x1;
	s3 =	sadd.s32 s4, s19  }
0x9c: {  	s7 =	simm.s32 $0x0;
	s20 =	sshll.u32 s5, $0x1;
	s5 =	sadd.s32 s21, s3  }
0x9d: {  	[timem:s7], [sflag:s22] =	dma.local [hbm:s5], s20  }
0x9e: {  	_ =	swait.ge [sflag:s22], s20  }
0x9f: {  	s4 =	ssub.s32 $0x0, s20;
	[sflag:s22] =	ssyncset.done $0x0  }
0xa0: {  	[sflag:s22] =	ssyncadd.s32 s4;
	_ =	sdelay $0x1  }
0xa1: {  	s23 =	simm.s32 $0x1B8B  }
0xa2: {  	_ =	swait.ge [sflag:s23], $0x1  }
0xa3: {  	[sflag:s23] =	ssyncset.done $0x0  }
0xa4: {  	s25 =	simm.s32 $0x1B8E;
	s24 =	sld [smem:$0x3FFE];
	[sflag:s23] =	ssyncadd.s32 $0xFFFFFFFF  }
0xa5: {  	s26 =	simm.s32 $execute0_lowered;
	[smem:$0x3FD2] =	sst s25  }
0xa6: {  	s5 =	sshll.u32 s26, $0x1;
	_ =	strace $0x80000046;
	[dreg:$0x1] =	wrdreg $0xFFFFFFFF  }
0xa7: {  	s28 =	simm.s32 $_size_execute0_lowered;
	s3 =	sadd.s32 s3, s5;
	[dreg:$0x0] =	wrdreg $0x0  }
0xa8: {  	s5 =	sshll.u32 s28, $0x1;
	[dreg:$0x2] =	wrdreg s3  }
0xa9: {  	[dreg:$0x3] =	wrdreg s5  }
0xaa: {  	[dreg:$0x4] =	wrdreg $0xC0  }
0xab: {  	_ =	task [dreg:s7], $0x5FFFF  }
0xac: {  	[dreg:$0x1] =	wrdreg $0xFFFFFFFF  }
0xad: {  	[dreg:$0x0] =	wrdreg $0x60  }
0xae: {  	[dreg:$0x2] =	wrdreg s24  }
0xaf: {  	[dreg:$0x3] =	wrdreg s2  }
0xb0: {  	[dreg:$0x4] =	wrdreg $0x156000  }
0xb1: {  	[dreg:$0x5] =	wrdreg $0x158800  }
0xb2: {  	[dreg:$0x6] =	wrdreg $0x15B000  }
0xb3: {  	[dreg:$0x7] =	wrdreg $0x1F9000  }
0xb4: {  	[dreg:$0x8] =	wrdreg $0x9  }
0xb5: {  	_ =	task.clear_ibuf [dreg:s7], $0x9FFFF;
	_ =	strace $0x90000046  }
0xb6: {  	s29 =	simm.s32 $0x9;
	_ =	strace $0x80000048  }
0xb7: {  	_ =	swait.ge [sflag:s29], $0x1  }
0xb8: {  	[sflag:s29] =	ssyncadd.s32 $0xFFFFFFFF  }
0xb9: {  	_ =	strace $0x90000048  }
0xba: {  	_ =	sfence  }
0xbb: {  	s30 =	sld [smem:$0x0];
	_ =	sdelay $0x2  }
0xbc: {  	s31 =	sshll.u32 s1, $0xD;
	s1 =	sshrl.u32 s1, $0x2  }
0xbd: {  	s3 =	sand.u32 $0x4000, s31;
	s1 =	sadd.s32 s1, s30  }
0xbe: {  	s0 =	sor.u32 s3, s0;
	s1 =	sshll.u32 s1, $0x11  }
0xbf: {  	s0 =	sor.u32 s1, s0  }
0xc0: {  	s0 =	sadd.s32 $0x8F2B, s0  }
0xc1: {  	[sflag:s0] =	ssyncadd.remote.s32 $0x1  }
0xc2: {  	_ =	sfence.sel $0xFFFF  }
0xc3: {  	[dreg:$0x0] =	wrdreg $0xFFFFFFFF;
	(pc) =	sbr.abs _section_cstart, $3  }
0xc4: {  	[dreg:$0x1] =	wrdreg $0xFFFFFFFF  }
0xc5: {  	_ =	task.clear_ibuf [dreg:s7], $0x2FFFF;
	_ =	strace $0x9FFFFFFF  }
0xc6: {  	(tm) =	ssettm $0x7FFFFFFF  }
0xc7: {  	_ =	shalt  }
tec
execute0_lowered:
.L_overlay_start_1:
0x0: {  	(tag) =	ssettag $0x1  }
0x1: {  	s0 =	rddreg [dreg:$0x0]  }
0x2: {  	s4 =	rddreg [dreg:$0x1]  }
0x3: {  	s1 =	rddreg [dreg:$0x2]  }
0x4: {  	s2 =	rddreg [dreg:$0x3]  }
0x5: {  	s3 =	rddreg [dreg:$0x4]  }
0x6: {  	s15 =	stileid.u32;
	s7 =	srdreg.scid  }
0x7: {  	s5 =	rddreg [dreg:$0x5];
	s10 =	simm.s32 $0x0;
	s6 =	smul.u32 $0x280, s15  }
0x8: {  	s28 =	simm.s32 $0x80;
	s31 =	simm.s32 $0xA000;
	s8 =	smul.u32 $0x9E00, s15  }
0x9: {  	s29 =	simm.s32 $0x6;
	s30 =	simm.s32 $0xB;
	s11 =	smul.u32 $0xA00, s15  }
0xa: {  	s7 =	sand.u32 $0x1, s7;
	[smem:$0x7FF] =	sst s10;
	s24 =	smul.u32 $0x27800, s15  }
0xb: {  	s13 =	sshll.u32 s15, $0x7;
	s9 =	smul.u32 $0x9E000, s7;
	_ =	strace $0x80000047  }
0xc: {  	s12 =	ssub.s32 $0x2, s7;
	s22 =	smul.u32 $0x13880, s7;
	p0 =	sne.s32 s7, $0x0  }
0xd: {  	s23 =	sshrl.u32 s6, $0x3;
	s11 =	sadd.s32 s11, s0;
	s14 =	sshrl.u32 s12, $0x1  }
0xe: {  	s26 =	sadd.s32 s6, s1;
	s6 =	sadd.s32 s6, s2;
	s10 =	sadd.s32 s23, s0  }
0xf: {  	s9 =	sadd.s32 s8, s9;
	s12 =	ssub.s32 s12, s14;
	s25 =	sadd.s32 $0xAE00, s11  }
0x10: {  	s11 =	sadd.s32 $0xE00, s11;
	s23 =	sshll.u32 s15, $0xA;
	s17 =	sadd.s32 s4, s22  }
0x11: {  	s22 =	simm.s32 $0xC;
	s26 =	sshrl.u32 s26, $0x3;
	[dreg:$0x7] =	wrdreg s25  }
0x12: {  	s4 =	simm.s32 $0x4;
	s9 =	sshrl.u32 s9, $0x3;
	[dreg:$0x8] =	wrdreg s11  }
0x13: {  	s18 =	sadd.s32 $0x800, s10;
	s10 =	sadd.s32 $0x200, s10;
	[dreg:$0x12] =	wrdreg s26  }
0x14: {  	s11 =	sadd.s32 s8, s3;
	s25 =	smax.u32 s12, $0x1;
	[dreg:$0x9] =	wrdreg s18  }
0x15: {  	s9 =	sadd.s32 s9, s0;
	s0 =	sadd.s32 s13, s0;
	[dreg:$0xa] =	wrdreg s10  }
0x16: {  	s13 =	sshrl.u32 s24, $0x2;
	[dreg:$0x11] =	wrdreg s25;
	s24 =	sadd.s32 $0x14E00, s9  }
0x17: {  	s19 =	sadd.s32 s13, s3;
	s0 =	sadd.s32 $0x3C600, s0;
	[dreg:$0xf] =	wrdreg s24  }
0x18: {  	s16 =	sadd.s32 s23, s5;
	s20 =	sadd.s32 $0x2000, s19;
	[dreg:$0x10] =	wrdreg s0  }
0x19: {  	s26 =	simm.s32 $0x5;
	s21 =	sadd.s32 $0x4000, s19;
	[dreg:$0xb] =	wrdreg s20  }
0x1a: {  	s18 =	smul.u32 $0xA0, s15;
	s13 =	sadd.s32 $0x6000, s19;
	[dreg:$0xc] =	wrdreg s21  }
0x1b: {  	v1 =	vimm.s32 $0x0;
	vm0 =	vcmask $0x300;
	s25 =	sshrl.u32 s6, $0x3;
	s8 =	sadd.s32 $0x8000, s19;
	[dreg:$0xd] =	wrdreg s13  }
0x1c: {  	v0 =	vimm.f32 $0.0e+00;
	v1 =	vsel vm0, $0x3, v1;
	s9 =	simm.s32 $0x5000;
	s0 =	simm.s32 $0x0;
	[dreg:$0xe] =	wrdreg s8  }
.LBB2_1:
0x1d: {  	s6 =	simm.s32 $0x0;
	s7 =	rddreg [dreg:$0x7]  }
0x1e: {  	[tilespmem:s6], [sflag:$0xC] =	stream.linear.gather [hbm4b:s7+s6], $0x5000, $0x38;
	[tilespmem:$0x1FD00] =	vst v63  }
0x1f: {  	_ =	swait.ge [sflag:s22], $0x5000  }
0x20: {  	[sflag:s22] =	ssyncset.done $0x0  }
0x21: {  	s20 =	rddreg [dreg:$0x8];
	[sflag:s22] =	ssyncadd.s32 $0xFFFFB000  }
0x22: {  	[tilespmem:s9], [sflag:$0xC] =	stream.linear.gather [hbm4b:s20+s6], $0x5000, $0x38;
	[tilespmem:$0x1FD00] =	vst v63  }
0x23: {  	s21 =	stileid.u32;
	_ =	swait.ge [sflag:s22], $0x5000  }
0x24: {  	s6 =	sshll.u32 s21, $0x6;
	[sflag:s22] =	ssyncset.done $0x0;
	s23 =	rddreg [dreg:$0x9]  }
0x25: {  	s6 =	sor.u32 $0x1C0C, s6;
	s8 =	rddreg [dreg:$0x12];
	[sflag:s22] =	ssyncadd.s32 $0xFFFFB000  }
0x26: {  	[spmem:s8], [sflag:s6] =	dma.local [hbm:s23], $0x50  }
0x27: {  	_ =	swait.ge [sflag:s22], $0x50  }
0x28: {  	[sflag:s22] =	ssyncset.done $0x0  }
0x29: {  	s24 =	rddreg [dreg:$0xa];
	[sflag:s22] =	ssyncadd.s32 $0xFFFFFFB0  }
0x2a: {  	[spmem:s25], [sflag:s6] =	dma.local [hbm:s24], $0x50  }
0x2b: {  	_ =	swait.ge [sflag:s22], $0x50  }
0x2c: {  	[sflag:s22] =	ssyncset.done $0x0  }
0x2d: {  	s7 =	simm.s32 $0x0;
	[sflag:s22] =	ssyncadd.s32 $0xFFFFFFB0  }
.LBB2_2:
0x2e: {  	p1 =	sne.s32 s7, $0x7F00  }
.Ltmp0:
0x2f: {  	s8 =	sshra.s32 s7, $0x2;
	(pc) =	sbr.rel @p1 .LBB2_2-.Ltmp0, $4  }
0x30: {  	[tilespmem:s8+$0xF200] =	vst v0  }
0x31: {  	[tilespmem:s8+$0xF210] =	vst v0  }
0x32: {  	[tilespmem:s8+$0xF220] =	vst v0  }
0x33: {  	s7 =	sadd.s32 $0x100, s7;
	[tilespmem:s8+$0xF230] =	vst v0  }
0x34: {  	s7 =	simm.s32 $0x40;
	s8 =	simm.s32 $0x0  }
.LBB2_4:
0x35: {  	p1 =	sne.s32 s7, $0xFC0;
	[tilespmem:s8+$0x15200] =	vst v0;
	s8 =	smov.u32 s7;
	s7 =	sadd.s32 $0x40, s7  }
.Ltmp1:
0x36: {  	(pc) =	sbr.rel @p1 .LBB2_4-.Ltmp1, $2  }
0x37: {  	_ =	sdelay $0x2  }
0x38: {  	s8 =	sshra.s32 s8, $0x2  }
0x39: {  	[tilespmem:s8+$0x15200] =	vst v0;
	s7 =	simm.s32 $0xF200  }
0x3a: {  	[spmem:s11] =	stream.linear.scatter [tilespmem:s7], [sflag:$0xC], $0x2000, $0x38;
	[tilespmem:$0x1FD00] =	vst v63  }
0x3b: {  	_ =	swait.ge [sflag:s22], $0x2000  }
0x3c: {  	[sflag:s22] =	ssyncset.done $0x0  }
0x3d: {  	s15 =	rddreg [dreg:$0xb];
	[sflag:s22] =	ssyncadd.s32 $0xFFFFE000  }
0x3e: {  	[spmem:s15] =	stream.linear.scatter [tilespmem:s7], [sflag:$0xC], $0x2000, $0x38;
	[tilespmem:$0x1FD00] =	vst v63  }
0x3f: {  	_ =	swait.ge [sflag:s22], $0x2000  }
0x40: {  	[sflag:s22] =	ssyncset.done $0x0  }
0x41: {  	s19 =	rddreg [dreg:$0xc];
	[sflag:s22] =	ssyncadd.s32 $0xFFFFE000  }
0x42: {  	[spmem:s19] =	stream.linear.scatter [tilespmem:s7], [sflag:$0xC], $0x2000, $0x38;
	[tilespmem:$0x1FD00] =	vst v63  }
0x43: {  	_ =	swait.ge [sflag:s22], $0x2000  }
0x44: {  	[sflag:s22] =	ssyncset.done $0x0  }
0x45: {  	s20 =	rddreg [dreg:$0xd];
	[sflag:s22] =	ssyncadd.s32 $0xFFFFE000  }
0x46: {  	[spmem:s20] =	stream.linear.scatter [tilespmem:s7], [sflag:$0xC], $0x2000, $0x38;
	[tilespmem:$0x1FD00] =	vst v63  }
0x47: {  	_ =	swait.ge [sflag:s22], $0x2000  }
0x48: {  	[sflag:s22] =	ssyncset.done $0x0  }
0x49: {  	s21 =	rddreg [dreg:$0xe];
	[sflag:s22] =	ssyncadd.s32 $0xFFFFE000  }
0x4a: {  	[spmem:s21] =	stream.linear.scatter [tilespmem:s7], [sflag:$0xC], $0x1E00, $0x38;
	[tilespmem:$0x1FD00] =	vst v63  }
0x4b: {  	_ =	swait.ge [sflag:s22], $0x1E00  }
0x4c: {  	[sflag:s22] =	ssyncset.done $0x0  }
0x4d: {  	s23 =	simm.s32 $0x15200;
	[sflag:s22] =	ssyncadd.s32 $0xFFFFE200  }
0x4e: {  	[spmem:s16] =	stream.linear.scatter [tilespmem:s23], [sflag:$0xC], $0x400, $0x38;
	[tilespmem:$0x1FD00] =	vst v63  }
0x4f: {  	_ =	swait.ge [sflag:s22], $0x400  }
0x50: {  	[sflag:s22] =	ssyncset.done $0x0  }
0x51: {  	[sflag:s22] =	ssyncadd.s32 $0xFFFFFC00  }
0x52: {  	s8 =	simm.s32 $0x0;
	s10 =	simm.s32 $0xF000;
	[bflag:$0x0] =	sbarrier.arrive $0xFFFF  }
0x53: {  	[tilespmem:s10], [sflag:$0x7] =	stream.indirect.gather [spmem:s1], $0x1, s8, s28, $0xb8;
	[tilespmem:$0x1FD00] =	vst v63  }
0x54: {  	s24 =	simm.s32 $0xF100  }
0x55: {  	[tilespmem:s24], [sflag:$0x9] =	stream.indirect.gather [spmem:s2], $0x1, s9, s28, $0xb8;
	[tilespmem:$0x1FD00] =	vst v63  }
0x56: {  	_ = 	snop  }
0x57: {  	[tilespmem:s7], [sflag:$0x1] =	stream.indirect.gather [hbm4b:s17+s28], $0x40, s8, s28, $0xb8;
	[tilespmem:$0x1FD00] =	vst v63  }
.LBB2_6:
0x58: {  	s19 =	sand.u32 $0x1, s8  }
0x59: {  	s9 =	sadd.s32 $0x7, s19  }
0x5a: {  	_ =	swait.ge [sflag:s9], $0x80  }
0x5b: {  	[sflag:s9] =	ssyncset.done $0x0  }
0x5c: {  	s20 =	sadd.s32 $0x9, s19;
	[sflag:s9] =	ssyncadd.s32 $0xFFFFFF80  }
0x5d: {  	_ =	swait.ge [sflag:s20], $0x80  }
0x5e: {  	[sflag:s20] =	ssyncset.done $0x0  }
0x5f: {  	s10 =	smov.u32 s8;
	s8 =	sshll.u32 s19, $0x7;
	[sflag:s20] =	ssyncadd.s32 $0xFFFFFF80  }
0x60: {  	v2 =	vld [tilespmem:s8+$0xF000]  }
0x61: {  	v3 =	vld [tilespmem:s8+$0xF100];
	_ =	sdelay $0x4  }
0x62: {  	v2 =	vadd.f32 v3, v2;
	_ =	sdelay $0x1  }
0x63: {  	v3 =	vmul.f32 $2.000000030e-01, v2;
	_ =	sdelay $0x1  }
0x64: {  	v2 =	vmax.f32 v2, v3  }
0x65: {  	v2 =	vmul.f32 $1.442695020e+00, v2;
	_ =	sdelay $0x1  }
0x66: {  	(erf) = vpow2.f32 v2;
	_ =	sdelay $0x6  }
0x67: {  	s21 =	sadd.s32 s18, s10  }
0x68: {  	s9 =	sshll.u32 s21, $0x7  }
0x69: {  	p1 =	slt.u32 s9, $0x4E200;
	v2 =	vpop (erf)  }
0x6a: {  	s12 =	sshll.u32 s10, $0x7;
	v2 =	vpsel !p1, $0x0, v2  }
0x6b: {  	[tilespmem:s12+$0xA000] =	vst v2  }
0x6c: {  	v2 =	vld [tilespmem:s8+$0xF010]  }
0x6d: {  	v3 =	vld [tilespmem:s8+$0xF110];
	_ =	sdelay $0x4  }
0x6e: {  	v2 =	vadd.f32 v3, v2;
	_ =	sdelay $0x1  }
0x6f: {  	v3 =	vmul.f32 $2.000000030e-01, v2;
	_ =	sdelay $0x1  }
0x70: {  	v2 =	vmax.f32 v2, v3  }
0x71: {  	v2 =	vmul.f32 $1.442695020e+00, v2;
	_ =	sdelay $0x1  }
0x72: {  	(erf) = vpow2.f32 v2;
	_ =	sdelay $0x7  }
0x73: {  	s13 =	sor.u32 $0x10, s9  }
0x74: {  	p5 =	slt.u32 s13, $0x4E200;
	v2 =	vpop (erf)  }
0x75: {  	v2 =	vpsel !p5, $0x0, v2  }
0x76: {  	[tilespmem:s12+$0xA010] =	vst v2  }
0x77: {  	v2 =	vld [tilespmem:s8+$0xF020]  }
0x78: {  	v3 =	vld [tilespmem:s8+$0xF120];
	_ =	sdelay $0x4  }
0x79: {  	v2 =	vadd.f32 v3, v2;
	_ =	sdelay $0x1  }
0x7a: {  	v3 =	vmul.f32 $2.000000030e-01, v2;
	_ =	sdelay $0x1  }
0x7b: {  	v2 =	vmax.f32 v2, v3  }
0x7c: {  	v2 =	vmul.f32 $1.442695020e+00, v2;
	_ =	sdelay $0x1  }
0x7d: {  	(erf) = vpow2.f32 v2;
	_ =	sdelay $0x7  }
0x7e: {  	s23 =	sor.u32 $0x20, s9  }
0x7f: {  	p6 =	slt.u32 s23, $0x4E200;
	v2 =	vpop (erf)  }
0x80: {  	v2 =	vpsel !p6, $0x0, v2  }
0x81: {  	[tilespmem:s12+$0xA020] =	vst v2  }
0x82: {  	v2 =	vld [tilespmem:s8+$0xF030]  }
0x83: {  	v3 =	vld [tilespmem:s8+$0xF130];
	_ =	sdelay $0x4  }
0x84: {  	v2 =	vadd.f32 v3, v2;
	_ =	sdelay $0x1  }
0x85: {  	v3 =	vmul.f32 $2.000000030e-01, v2;
	_ =	sdelay $0x1  }
0x86: {  	v2 =	vmax.f32 v2, v3  }
0x87: {  	v2 =	vmul.f32 $1.442695020e+00, v2;
	_ =	sdelay $0x1  }
0x88: {  	(erf) = vpow2.f32 v2;
	_ =	sdelay $0x7  }
0x89: {  	s24 =	sor.u32 $0x30, s9  }
0x8a: {  	p2 =	slt.u32 s24, $0x4E200;
	v2 =	vpop (erf)  }
0x8b: {  	v2 =	vpsel !p2, $0x0, v2  }
0x8c: {  	[tilespmem:s12+$0xA030] =	vst v2  }
0x8d: {  	v2 =	vld [tilespmem:s8+$0xF040]  }
0x8e: {  	v3 =	vld [tilespmem:s8+$0xF140];
	_ =	sdelay $0x4  }
0x8f: {  	v2 =	vadd.f32 v3, v2;
	_ =	sdelay $0x1  }
0x90: {  	v3 =	vmul.f32 $2.000000030e-01, v2;
	_ =	sdelay $0x1  }
0x91: {  	v2 =	vmax.f32 v2, v3  }
0x92: {  	v2 =	vmul.f32 $1.442695020e+00, v2;
	_ =	sdelay $0x1  }
0x93: {  	(erf) = vpow2.f32 v2;
	_ =	sdelay $0x7  }
0x94: {  	s14 =	sor.u32 $0x40, s9  }
0x95: {  	p3 =	slt.u32 s14, $0x4E200;
	v2 =	vpop (erf)  }
0x96: {  	v2 =	vpsel !p3, $0x0, v2  }
0x97: {  	[tilespmem:s12+$0xA040] =	vst v2  }
0x98: {  	v2 =	vld [tilespmem:s8+$0xF050]  }
0x99: {  	v3 =	vld [tilespmem:s8+$0xF150];
	_ =	sdelay $0x4  }
0x9a: {  	v2 =	vadd.f32 v3, v2;
	_ =	sdelay $0x1  }
0x9b: {  	v3 =	vmul.f32 $2.000000030e-01, v2;
	_ =	sdelay $0x1  }
0x9c: {  	v2 =	vmax.f32 v2, v3  }
0x9d: {  	v2 =	vmul.f32 $1.442695020e+00, v2;
	_ =	sdelay $0x1  }
0x9e: {  	(erf) = vpow2.f32 v2;
	_ =	sdelay $0x7  }
0x9f: {  	s15 =	sor.u32 $0x50, s9  }
0xa0: {  	p4 =	slt.u32 s15, $0x4E200;
	v2 =	vpop (erf)  }
0xa1: {  	v2 =	vpsel !p4, $0x0, v2  }
0xa2: {  	[tilespmem:s12+$0xA050] =	vst v2  }
0xa3: {  	v2 =	vld [tilespmem:s8+$0xF060]  }
0xa4: {  	v3 =	vld [tilespmem:s8+$0xF160];
	_ =	sdelay $0x4  }
0xa5: {  	v2 =	vadd.f32 v3, v2;
	_ =	sdelay $0x1  }
0xa6: {  	v3 =	vmul.f32 $2.000000030e-01, v2;
	_ =	sdelay $0x1  }
0xa7: {  	v2 =	vmax.f32 v2, v3  }
0xa8: {  	v2 =	vmul.f32 $1.442695020e+00, v2;
	_ =	sdelay $0x1  }
0xa9: {  	(erf) = vpow2.f32 v2;
	_ =	sdelay $0x7  }
0xaa: {  	s19 =	sor.u32 $0x60, s9  }
0xab: {  	p5 =	slt.u32 s19, $0x4E200;
	v2 =	vpop (erf)  }
0xac: {  	v2 =	vpsel !p5, $0x0, v2  }
0xad: {  	[tilespmem:s12+$0xA060] =	vst v2  }
0xae: {  	v2 =	vld [tilespmem:s8+$0xF070]  }
0xaf: {  	v3 =	vld [tilespmem:s8+$0xF170];
	_ =	sdelay $0x4  }
0xb0: {  	v2 =	vadd.f32 v3, v2;
	_ =	sdelay $0x1  }
0xb1: {  	v3 =	vmul.f32 $2.000000030e-01, v2;
	_ =	sdelay $0x1  }
0xb2: {  	v2 =	vmax.f32 v2, v3  }
0xb3: {  	v2 =	vmul.f32 $1.442695020e+00, v2;
	_ =	sdelay $0x1  }
0xb4: {  	(erf) = vpow2.f32 v2;
	_ =	sdelay $0x7  }
0xb5: {  	s20 =	sor.u32 $0x70, s9  }
0xb6: {  	p6 =	slt.u32 s20, $0x4E200;
	s8 =	sadd.s32 $0x1, s10;
	v2 =	vpop (erf)  }
0xb7: {  	s14 =	sadd.s32 $0xA000, s12;
	s21 =	sand.u32 $0xFF, s8;
	v2 =	vpsel !p6, $0x0, v2  }
0xb8: {  	s9 =	sadd.s32 $0x5000, s12;
	p1 =	seq.s32 s10, $0x9F;
	s13 =	smul.u32 $0xAB, s21;
	[tilespmem:s12+$0xA070] =	vst v2  }
0xb9: {  	[spmem:s5] =	stream.indirect.scatter.add.f32 [tilespmem:s14], [sflag:$0xB], $0x1, s9, s28, $0xb8;
	[tilespmem:$0x1FD00] =	vst v63  }
0xba: {  	s15 =	smul.u32 $0xAB, s10;
	s24 =	simm.s32 @!p1 $0x80;
	s14 =	sand.u32 @!p1 $0x1, s8  }
0xbb: {  	s20 =	sshll.u32 @!p1 s8, $0x7;
	s13 =	sshrl.u32 s13, $0x9;
	s23 =	sshll.u32 @!p1 s14, $0x7  }
0xbc: {  	s13 =	smul.u32 $0x3, s13;
	s21 =	sadd.s32 @!p1 $0x7, s14;
	s19 =	sor.u32 @!p1 $0xF000, s23  }
0xbd: {  	[tilespmem:s19], [sflag:s21] =	stream.indirect.gather @!p1 [spmem:s1], $0x1, s20, s24, $0xb8;
	[tilespmem:$0x1FD00] =	vst v63  }
0xbe: {  	s14 =	sadd.s32 @!p1 $0x9, s14;
	s19 =	sor.u32 @!p1 $0xF100, s23;
	s21 =	sadd.s32 @!p1 $0x5000, s20  }
0xbf: {  	[tilespmem:s19], [sflag:s14] =	stream.indirect.gather @!p1 [spmem:s2], $0x1, s21, s24, $0xb8;
	[tilespmem:$0x1FD00] =	vst v63  }
0xc0: {  	s15 =	sshrl.u32 s15, $0x9;
	s19 =	sadd.s32 @!p1 $0xFFFFFFFE, s10  }
0xc1: {  	s15 =	sand.u32 $0x7F, s15;
	s13 =	ssub.s32 s8, s13;
	p2 =	sgt.u32 @!p1 s19, $0x9C  }
0xc2: {  	s15 =	smul.u32 $0x3, s15;
	s13 =	sand.u32 $0xFF, s13;
	p2 =	por p2, p1  }
0xc3: {  	s23 =	smulhi.u32 $0xAAAAAAAB, s10;
	s19 =	sadd.s32 @!p2 $0x4, s13  }
0xc4: {  	s10 =	ssub.s32 s10, s15;
	s15 =	sshll.u32 @!p1 s13, $0xD;
	_ =	swait.ge @!p2 [sflag:s19], $0x2000  }
0xc5: {  	s14 =	sshrl.u32 s23, $0x1;
	s15 =	sadd.s32 @!p1 $0xF200, s15;
	[sflag:s19] =	ssyncset.done @!p2 $0x0  }
0xc6: {  	s13 =	sadd.s32 @!p1 $0x1, s13;
	[sflag:s19] =	ssyncadd.s32 @!p2 $0xFFFFE000;
	s19 =	sand.u32 @!p1 $0x3FFFFF80, s20  }
0xc7: {  	[tilespmem:s15], [sflag:s13] =	stream.indirect.gather @!p1 [hbm4b:s17+s24], $0x40, s19, s24, $0xb8;
	[tilespmem:$0x1FD00] =	vst v63  }
0xc8: {  	s10 =	sand.u32 $0xFF, s10;
	s19 =	smul.u32 $0xFFFE8000, s14  }
0xc9: {  	v2 =	vmov s12;
	s20 =	sadd.s32 $0x1, s10  }
0xca: {  	v3 =	vor.u32 $0x1, v2;
	v4 =	vor.u32 $0x2, v2;
	s24 =	sshll.u32 s10, $0xD;
	_ =	swait.ge [sflag:s20], $0x2000;
	s21 =	sshra.s32 s19, $0x2  }
0xcb: {  	v5 =	vor.u32 $0x3, v2;
	v6 =	vor.u32 $0x4, v2;
	v7 =	vor.u32 $0x5, v2;
	s13 =	simm.s32 $0x7;
	[sflag:s20] =	ssyncset.done $0x0;
	s23 =	sadd.s32 s21, s7  }
0xcc: {  	v8 =	vor.u32 $0x6, v2;
	v9 =	vor.u32 $0x7, v2;
	s14 =	simm.s32 $0x0;
	s12 =	sadd.s32 $0xF200, s24;
	[sflag:s20] =	ssyncadd.s32 $0xFFFFE000;
	v10 =	vmov s23  }
.LBB2_7:
0xcd: {  	s15 =	sadd.s32 $0xFFFFFFF9, s13  }
0xce: {  	v11 =	vmov s15  }
0xcf: {  	v11 =	vshrl.u32 v11, $0x3  }
0xd0: {  	v11 =	vshll.u32 v11, v1  }
0xd1: {  	v11 =	vadd.s32 v2, v11  }
0xd2: {  	v11 =	vbroadcast v11, $0x0;
	_ =	sdelay $0x3  }
0xd3: {  	s15 =	sshra.s32 s14, $0x2  }
0xd4: {  	v12 =	vld.idx.msk [tilespmem:v10+s15+$0x0 ss:$0x1], $0xffff  }
0xd5: {  	v11 =	vld.idx.msk [tilespmem:v11+s31+$0x0], $0xffff;
	_ =	sdelay $0x4  }
0xd6: {  	v12 =	vmul.f32 v12, v11;
	_ =	sdelay $0x1  }
0xd7: {  	[tilespmem:v10+s15+$0x0 ss:$0x1] =	vst.idx.msk $0xffff, v12  }
0xd8: {  	v12 =	vld.idx.msk [tilespmem:v10+s15+$0x10 ss:$0x1], $0xffff;
	_ =	sdelay $0x4  }
0xd9: {  	v12 =	vmul.f32 v12, v11;
	_ =	sdelay $0x1  }
0xda: {  	[tilespmem:v10+s15+$0x10 ss:$0x1] =	vst.idx.msk $0xffff, v12  }
0xdb: {  	v12 =	vld.idx.msk [tilespmem:v10+s15+$0x20 ss:$0x1], $0xffff;
	_ =	sdelay $0x4  }
0xdc: {  	s19 =	sadd.s32 $0xFFFFFFFA, s13;
	v12 =	vmul.f32 v12, v11  }
0xdd: {  	v13 =	vmov s19  }
0xde: {  	v37 =	vshrl.u32 v13, $0x3;
	[tilespmem:v10+s15+$0x20 ss:$0x1] =	vst.idx.msk $0xffff, v12  }
0xdf: {  	v12 =	vshll.u32 v37, v1;
	v38 =	vld.idx.msk [tilespmem:v10+s15+$0x30 ss:$0x1], $0xffff  }
0xe0: {  	v12 =	vadd.s32 v12, v3  }
0xe1: {  	v12 =	vbroadcast v12, $0x0;
	_ =	sdelay $0x2  }
0xe2: {  	v11 =	vmul.f32 v38, v11;
	_ =	sdelay $0x1  }
0xe3: {  	[tilespmem:v10+s15+$0x30 ss:$0x1] =	vst.idx.msk $0xffff, v11  }
0xe4: {  	v11 =	vld.idx.msk [tilespmem:v12+s31+$0x0], $0xffff  }
0xe5: {  	v39 =	vld.idx.msk [tilespmem:v10+s15+$0x40 ss:$0x1], $0xffff;
	_ =	sdelay $0x4  }
0xe6: {  	v12 =	vmul.f32 v39, v11;
	_ =	sdelay $0x1  }
0xe7: {  	[tilespmem:v10+s15+$0x40 ss:$0x1] =	vst.idx.msk $0xffff, v12  }
0xe8: {  	v12 =	vld.idx.msk [tilespmem:v10+s15+$0x50 ss:$0x1], $0xffff;
	_ =	sdelay $0x4  }
0xe9: {  	v12 =	vmul.f32 v12, v11;
	_ =	sdelay $0x1  }
0xea: {  	[tilespmem:v10+s15+$0x50 ss:$0x1] =	vst.idx.msk $0xffff, v12  }
0xeb: {  	v12 =	vld.idx.msk [tilespmem:v10+s15+$0x60 ss:$0x1], $0xffff;
	_ =	sdelay $0x4  }
0xec: {  	s24 =	sadd.s32 $0xFFFFFFFB, s13;
	v12 =	vmul.f32 v12, v11  }
0xed: {  	v40 =	vmov s24  }
0xee: {  	v41 =	vshrl.u32 v40, $0x3;
	[tilespmem:v10+s15+$0x60 ss:$0x1] =	vst.idx.msk $0xffff, v12  }
0xef: {  	v12 =	vshll.u32 v41, v1;
	v42 =	vld.idx.msk [tilespmem:v10+s15+$0x70 ss:$0x1], $0xffff  }
0xf0: {  	v12 =	vadd.s32 v12, v4  }
0xf1: {  	v12 =	vbroadcast v12, $0x0;
	_ =	sdelay $0x2  }
0xf2: {  	v11 =	vmul.f32 v42, v11;
	_ =	sdelay $0x1  }
0xf3: {  	[tilespmem:v10+s15+$0x70 ss:$0x1] =	vst.idx.msk $0xffff, v11  }
0xf4: {  	v11 =	vld.idx.msk [tilespmem:v12+s31+$0x0], $0xffff  }
0xf5: {  	v43 =	vld.idx.msk [tilespmem:v10+s15+$0x80 ss:$0x1], $0xffff;
	_ =	sdelay $0x4  }
0xf6: {  	v12 =	vmul.f32 v43, v11;
	_ =	sdelay $0x1  }
0xf7: {  	[tilespmem:v10+s15+$0x80 ss:$0x1] =	vst.idx.msk $0xffff, v12  }
0xf8: {  	v12 =	vld.idx.msk [tilespmem:v10+s15+$0x90 ss:$0x1], $0xffff;
	_ =	sdelay $0x4  }
0xf9: {  	v12 =	vmul.f32 v12, v11;
	_ =	sdelay $0x1  }
0xfa: {  	[tilespmem:v10+s15+$0x90 ss:$0x1] =	vst.idx.msk $0xffff, v12  }
0xfb: {  	v12 =	vld.idx.msk [tilespmem:v10+s15+$0xA0 ss:$0x1], $0xffff;
	_ =	sdelay $0x4  }
0xfc: {  	s20 =	sadd.s32 $0xFFFFFFFC, s13;
	v12 =	vmul.f32 v12, v11  }
0xfd: {  	v44 =	vmov s20  }
0xfe: {  	v45 =	vshrl.u32 v44, $0x3;
	[tilespmem:v10+s15+$0xA0 ss:$0x1] =	vst.idx.msk $0xffff, v12  }
0xff: {  	v12 =	vshll.u32 v45, v1;
	v46 =	vld.idx.msk [tilespmem:v10+s15+$0xB0 ss:$0x1], $0xffff  }
0x100: {  	v12 =	vadd.s32 v12, v5  }
0x101: {  	v12 =	vbroadcast v12, $0x0;
	_ =	sdelay $0x2  }
0x102: {  	v11 =	vmul.f32 v46, v11;
	_ =	sdelay $0x1  }
0x103: {  	[tilespmem:v10+s15+$0xB0 ss:$0x1] =	vst.idx.msk $0xffff, v11  }
0x104: {  	v11 =	vld.idx.msk [tilespmem:v12+s31+$0x0], $0xffff  }
0x105: {  	v47 =	vld.idx.msk [tilespmem:v10+s15+$0xC0 ss:$0x1], $0xffff;
	_ =	sdelay $0x4  }
0x106: {  	v12 =	vmul.f32 v47, v11;
	_ =	sdelay $0x1  }
0x107: {  	[tilespmem:v10+s15+$0xC0 ss:$0x1] =	vst.idx.msk $0xffff, v12  }
0x108: {  	v12 =	vld.idx.msk [tilespmem:v10+s15+$0xD0 ss:$0x1], $0xffff;
	_ =	sdelay $0x4  }
0x109: {  	v12 =	vmul.f32 v12, v11;
	_ =	sdelay $0x1  }
0x10a: {  	[tilespmem:v10+s15+$0xD0 ss:$0x1] =	vst.idx.msk $0xffff, v12  }
0x10b: {  	v12 =	vld.idx.msk [tilespmem:v10+s15+$0xE0 ss:$0x1], $0xffff;
	_ =	sdelay $0x4  }
0x10c: {  	s21 =	sadd.s32 $0xFFFFFFFD, s13;
	v12 =	vmul.f32 v12, v11  }
0x10d: {  	v48 =	vmov s21  }
0x10e: {  	v49 =	vshrl.u32 v48, $0x3;
	[tilespmem:v10+s15+$0xE0 ss:$0x1] =	vst.idx.msk $0xffff, v12  }
0x10f: {  	v12 =	vshll.u32 v49, v1;
	v50 =	vld.idx.msk [tilespmem:v10+s15+$0xF0 ss:$0x1], $0xffff  }
0x110: {  	v12 =	vadd.s32 v12, v6  }
0x111: {  	v12 =	vbroadcast v12, $0x0;
	_ =	sdelay $0x2  }
0x112: {  	v11 =	vmul.f32 v50, v11;
	_ =	sdelay $0x1  }
0x113: {  	[tilespmem:v10+s15+$0xF0 ss:$0x1] =	vst.idx.msk $0xffff, v11  }
0x114: {  	v11 =	vld.idx.msk [tilespmem:v12+s31+$0x0], $0xffff  }
0x115: {  	v51 =	vld.idx.msk [tilespmem:v10+s15+$0x100 ss:$0x1], $0xffff;
	_ =	sdelay $0x4  }
0x116: {  	v12 =	vmul.f32 v51, v11;
	_ =	sdelay $0x1  }
0x117: {  	[tilespmem:v10+s15+$0x100 ss:$0x1] =	vst.idx.msk $0xffff, v12  }
0x118: {  	v12 =	vld.idx.msk [tilespmem:v10+s15+$0x110 ss:$0x1], $0xffff;
	_ =	sdelay $0x4  }
0x119: {  	v12 =	vmul.f32 v12, v11;
	_ =	sdelay $0x1  }
0x11a: {  	[tilespmem:v10+s15+$0x110 ss:$0x1] =	vst.idx.msk $0xffff, v12  }
0x11b: {  	v12 =	vld.idx.msk [tilespmem:v10+s15+$0x120 ss:$0x1], $0xffff;
	_ =	sdelay $0x4  }
0x11c: {  	s23 =	sadd.s32 $0xFFFFFFFE, s13;
	v12 =	vmul.f32 v12, v11  }
0x11d: {  	v52 =	vmov s23  }
0x11e: {  	v53 =	vshrl.u32 v52, $0x3;
	[tilespmem:v10+s15+$0x120 ss:$0x1] =	vst.idx.msk $0xffff, v12  }
0x11f: {  	v12 =	vshll.u32 v53, v1;
	v54 =	vld.idx.msk [tilespmem:v10+s15+$0x130 ss:$0x1], $0xffff  }
0x120: {  	v12 =	vadd.s32 v12, v7  }
0x121: {  	v12 =	vbroadcast v12, $0x0;
	_ =	sdelay $0x2  }
0x122: {  	v11 =	vmul.f32 v54, v11;
	_ =	sdelay $0x1  }
0x123: {  	[tilespmem:v10+s15+$0x130 ss:$0x1] =	vst.idx.msk $0xffff, v11  }
0x124: {  	v11 =	vld.idx.msk [tilespmem:v12+s31+$0x0], $0xffff  }
0x125: {  	v55 =	vld.idx.msk [tilespmem:v10+s15+$0x140 ss:$0x1], $0xffff;
	_ =	sdelay $0x4  }
0x126: {  	v12 =	vmul.f32 v55, v11;
	_ =	sdelay $0x1  }
0x127: {  	[tilespmem:v10+s15+$0x140 ss:$0x1] =	vst.idx.msk $0xffff, v12  }
0x128: {  	v12 =	vld.idx.msk [tilespmem:v10+s15+$0x150 ss:$0x1], $0xffff;
	_ =	sdelay $0x4  }
0x129: {  	v12 =	vmul.f32 v12, v11;
	_ =	sdelay $0x1  }
0x12a: {  	[tilespmem:v10+s15+$0x150 ss:$0x1] =	vst.idx.msk $0xffff, v12  }
0x12b: {  	v12 =	vld.idx.msk [tilespmem:v10+s15+$0x160 ss:$0x1], $0xffff;
	_ =	sdelay $0x4  }
0x12c: {  	s24 =	sadd.s32 $0xFFFFFFFF, s13;
	v12 =	vmul.f32 v12, v11  }
0x12d: {  	v56 =	vmov s24  }
0x12e: {  	v57 =	vshrl.u32 v56, $0x3;
	[tilespmem:v10+s15+$0x160 ss:$0x1] =	vst.idx.msk $0xffff, v12  }
0x12f: {  	v12 =	vshll.u32 v57, v1;
	v58 =	vld.idx.msk [tilespmem:v10+s15+$0x170 ss:$0x1], $0xffff  }
0x130: {  	v12 =	vadd.s32 v12, v8  }
0x131: {  	v12 =	vbroadcast v12, $0x0;
	_ =	sdelay $0x2  }
0x132: {  	v11 =	vmul.f32 v58, v11;
	_ =	sdelay $0x1  }
0x133: {  	[tilespmem:v10+s15+$0x170 ss:$0x1] =	vst.idx.msk $0xffff, v11  }
0x134: {  	v11 =	vld.idx.msk [tilespmem:v12+s31+$0x0], $0xffff  }
0x135: {  	v59 =	vld.idx.msk [tilespmem:v10+s15+$0x180 ss:$0x1], $0xffff;
	_ =	sdelay $0x4  }
0x136: {  	v12 =	vmul.f32 v59, v11;
	_ =	sdelay $0x1  }
0x137: {  	[tilespmem:v10+s15+$0x180 ss:$0x1] =	vst.idx.msk $0xffff, v12  }
0x138: {  	v12 =	vld.idx.msk [tilespmem:v10+s15+$0x190 ss:$0x1], $0xffff;
	_ =	sdelay $0x4  }
0x139: {  	v12 =	vmul.f32 v12, v11;
	_ =	sdelay $0x1  }
0x13a: {  	[tilespmem:v10+s15+$0x190 ss:$0x1] =	vst.idx.msk $0xffff, v12  }
0x13b: {  	v12 =	vld.idx.msk [tilespmem:v10+s15+$0x1A0 ss:$0x1], $0xffff;
	_ =	sdelay $0x4  }
0x13c: {  	v12 =	vmul.f32 v12, v11  }
0x13d: {  	v60 =	vmov s13  }
0x13e: {  	v61 =	vshrl.u32 v60, $0x3;
	[tilespmem:v10+s15+$0x1A0 ss:$0x1] =	vst.idx.msk $0xffff, v12  }
0x13f: {  	v12 =	vshll.u32 v61, v1;
	v62 =	vld.idx.msk [tilespmem:v10+s15+$0x1B0 ss:$0x1], $0xffff  }
0x140: {  	v12 =	vadd.s32 v12, v9  }
0x141: {  	v12 =	vbroadcast v12, $0x0;
	_ =	sdelay $0x2  }
0x142: {  	v11 =	vmul.f32 v62, v11;
	_ =	sdelay $0x1  }
0x143: {  	[tilespmem:v10+s15+$0x1B0 ss:$0x1] =	vst.idx.msk $0xffff, v11  }
0x144: {  	v11 =	vld.idx.msk [tilespmem:v12+s31+$0x0], $0xffff  }
0x145: {  	v63 =	vld.idx.msk [tilespmem:v10+s15+$0x1C0 ss:$0x1], $0xffff;
	_ =	sdelay $0x4  }
0x146: {  	v12 =	vmul.f32 v63, v11;
	_ =	sdelay $0x1  }
0x147: {  	[tilespmem:v10+s15+$0x1C0 ss:$0x1] =	vst.idx.msk $0xffff, v12  }
0x148: {  	v12 =	vld.idx.msk [tilespmem:v10+s15+$0x1D0 ss:$0x1], $0xffff;
	_ =	sdelay $0x4  }
0x149: {  	v12 =	vmul.f32 v12, v11;
	_ =	sdelay $0x1  }
0x14a: {  	[tilespmem:v10+s15+$0x1D0 ss:$0x1] =	vst.idx.msk $0xffff, v12  }
0x14b: {  	v12 =	vld.idx.msk [tilespmem:v10+s15+$0x1E0 ss:$0x1], $0xffff;
	_ =	sdelay $0x4  }
0x14c: {  	v12 =	vmul.f32 v12, v11;
	_ =	sdelay $0x1  }
0x14d: {  	[tilespmem:v10+s15+$0x1E0 ss:$0x1] =	vst.idx.msk $0xffff, v12  }
0x14e: {  	v12 =	vld.idx.msk [tilespmem:v10+s15+$0x1F0 ss:$0x1], $0xffff;
	_ =	sdelay $0x1  }
0x14f: {  	p1 =	sne.s32 s14, $0x7800  }
.Ltmp2:
0x150: {  	_ = 	snop;
	(pc) =	sbr.rel @p1 .LBB2_7-.Ltmp2, $3  }
0x151: {  	_ = 	snop  }
0x152: {  	v11 =	vmul.f32 v12, v11;
	_ =	sdelay $0x1  }
0x153: {  	s13 =	sadd.s32 $0x8, s13;
	s14 =	sadd.s32 $0x800, s14;
	[tilespmem:v10+s15+$0x1F0 ss:$0x1] =	vst.idx.msk $0xffff, v11  }
0x154: {  	p1 =	sne.s32 s8, $0xA0  }
.Ltmp3:
0x155: {  	_ = 	snop;
	(pc) =	sbr.rel @p1 .LBB2_6-.Ltmp3, $3  }
0x156: {  	_ =	sdelay $0x1  }
0x157: {  	s10 =	sadd.s32 $0x4, s10;
	s7 =	sadd.s32 $0x2000, s7  }
0x158: {  	[spmem:s3] =	stream.indirect.scatter.add.f32 [tilespmem:s12], [sflag:s10], $0x40, s9, s28, $0xb8;
	[tilespmem:$0x1FD00] =	vst v63  }
0x159: {  	_ =	swait.ge [sflag:s4], $0x2000  }
0x15a: {  	[sflag:s4] =	ssyncset.done $0x0  }
0x15b: {  	[sflag:s4] =	ssyncadd.s32 $0xFFFFE000  }
0x15c: {  	_ =	swait.ge [sflag:s26], $0x2000  }
0x15d: {  	[sflag:s26] =	ssyncset.done $0x0  }
0x15e: {  	[sflag:s26] =	ssyncadd.s32 $0xFFFFE000  }
0x15f: {  	_ =	swait.ge [sflag:s29], $0x2000  }
0x160: {  	[sflag:s29] =	ssyncset.done $0x0  }
0x161: {  	[sflag:s29] =	ssyncadd.s32 $0xFFFFE000  }
0x162: {  	_ =	swait.ge [sflag:s30], $0x80  }
0x163: {  	s7 =	simm.s32 $0x9F;
	[sflag:s30] =	ssyncset.done $0x0  }
.LBB2_10:
0x164: {  	p1 =	sne.s32 s7, $0x1;
	s7 =	sadd.s32 $0xFFFFFFFF, s7;
	[sflag:s30] =	ssyncadd.s32 $0xFFFFFF80  }
.Ltmp4:
0x165: {  	(pc) =	sbr.rel @p1 .LBB2_10-.Ltmp4, $3  }
0x166: {  	_ =	sdelay $0x1  }
0x167: {  	_ =	swait.ge [sflag:s30], $0x80  }
0x168: {  	[sflag:s30] =	ssyncset.done $0x0  }
0x169: {  	[sflag:s30] =	ssyncadd.s32 $0xFFFFFF80  }
0x16a: {  	[bflag:$0x0] =	sbarrier.arrive $0xFFFF  }
0x16b: {  	s7 =	sshrl.u32 s11, $0x3;
	s8 =	rddreg [dreg:$0xf]  }
0x16c: {  	[hbm:s8], [sflag:s6] =	dma.local [spmem:s7], $0x13C0  }
0x16d: {  	_ =	swait.ge [sflag:s22], $0x13C0  }
0x16e: {  	[sflag:s22] =	ssyncset.done $0x0  }
0x16f: {  	s7 =	sshrl.u32 @!p0 s16, $0x3;
	s8 =	rddreg [dreg:$0x10];
	[sflag:s22] =	ssyncadd.s32 $0xFFFFEC40  }
0x170: {  	[hbm:s8], [sflag:s6] =	dma.local @!p0 [spmem:s7], $0x80  }
0x171: {  	s6 =	simm.s32 @!p0 $0xC  }
0x172: {  	_ =	swait.ge @!p0 [sflag:s6], $0x80  }
0x173: {  	s0 =	sadd.s32 $0x1, s0;
	s24 =	rddreg [dreg:$0x11]  }
0x174: {  	p1 =	sne.s32 s0, s24  }
.Ltmp5:
0x175: {  	_ = 	snop;
	(pc) =	sbr.rel @p1 .LBB2_1-.Ltmp5, $3  }
0x176: {  	_ =	sdelay $0x1  }
0x177: {  	[sflag:s6] =	ssyncset.done @!p0 $0x0  }
0x178: {  	s9 =	simm.s32 $0x5000;
	[sflag:s6] =	ssyncadd.s32 @!p0 $0xFFFFFF80  }
0x179: {  	_ =	sfence.sel $0x180000  }
0x17a: {  	[bflag:$0x0] =	sbarrier.arrive $0xFFFF  }
0x17b: {  	_ =	strace $0x90000047  }
0x17c: {  	s0 =	stileid.u32;
	[bflag:$0x2] =	sbarrier.arrive $0xFFFF  }
0x17d: {  	p0 =	sne.s32 s0, $0x0;
	s0 =	rddreg [dreg:$0x6]  }
0x17e: {  	s0 =	sadd.s32 @!p0 $0x100000, s0  }
0x17f: {  	[sflag:s0] =	ssyncadd.tile.s32 @!p0 $0x1;
	_ =	shalt  }
.Lfunc_end2:
_tile_overlayer_lowered:
.L_overlay_start_2:
0x180: {  	(tag) =	ssettag $0x2  }
0x181: {  	s0 =	rddreg [dreg:$0x0];
	s2 =	stileid.u32  }
0x182: {  	s1 =	rddreg [dreg:$0x1];
	p0 =	sne.s32 s2, $0x0  }
0x183: {  	s3 =	rddreg [dreg:$0x2];
	[bflag:$0x3] =	sbarrier.arrive $0xFFFF;
	s2 =	simm.s32 @!p0 $0x1C0C  }
0x184: {  	[timem:s3], [sflag:s2] =	dma.local @!p0 [hbm:s0], s1  }
0x185: {  	s0 =	simm.s32 @!p0 $0xC  }
0x186: {  	_ =	swait.ge @!p0 [sflag:s0], s1  }
0x187: {  	s1 =	ssub.s32 @!p0 $0x0, s1;
	[sflag:s0] =	ssyncset.done @!p0 $0x0  }
0x188: {  	[sflag:s0] =	ssyncadd.s32 @!p0 s1  }
0x189: {  	[bflag:$0x3] =	sbarrier.arrive $0xFFFF  }
0x18a: {  	_ =	shalt  }

</sc_bundles>
